<compile_context>
chip_gen: v7x
topology: tpu7x:2x2x1
jax: 0.10.2.dev20260603
libtpu: 0.0.44.dev20260713+nightly
codegen_flags: <defaults>
</compile_context>

<pallas_src>
import functools

import jax
import jax.numpy as jnp
from jax import lax
from jax.experimental import pallas as pl
from jax.experimental.pallas import tpu as pltpu

try:
    from jax.experimental.pallas import tpu_sc as plsc
except ImportError:
    plsc = None

EPS = 1e-06
B_, N_, K_, RANK_ = 4, 4096, 256, 4
HW_ = 128 * 128
LANES = 16


def _weights_body(pt_ref, m_ref, s_ref, v_ref, w_ref):
    pt = pt_ref[0]
    m = m_ref[0]
    sg = s_ref[0]
    scale = jnp.sqrt((0.5 * 1.4426950408889634) / (EPS + sg))
    ms = m * scale
    acc = None
    for r in range(RANK_):
        a_r = ms[:, r:r + 1]
        s_r = scale[:, r:r + 1]
        p_r = pt[r:r + 1, :]
        d = a_r - s_r * p_r
        t = d * d
        acc = t if acc is None else acc + t
    props = jnp.exp2(-acc)
    colsum = jnp.sum(props, axis=1, keepdims=True)
    vsc = v_ref[0] / (colsum + EPS)
    w = jnp.sum(props * vsc, axis=0, keepdims=True)
    w_ref[0] = w


def _tc_weights(ptsT, means, sigmas, values3, interpret=False):
    return pl.pallas_call(
        _weights_body,
        grid=(B_,),
        in_specs=[
            pl.BlockSpec((1, RANK_, N_), lambda b: (b, 0, 0)),
            pl.BlockSpec((1, K_, RANK_), lambda b: (b, 0, 0)),
            pl.BlockSpec((1, K_, RANK_), lambda b: (b, 0, 0)),
            pl.BlockSpec((1, K_, 1), lambda b: (b, 0, 0)),
        ],
        out_specs=pl.BlockSpec((1, 1, N_), lambda b: (b, 0, 0)),
        out_shape=jax.ShapeDtypeStruct((B_, 1, N_), jnp.float32),
        interpret=interpret,
    )(ptsT, means, sigmas, values3)


_TPB = 8
_PPT = N_ // _TPB
_ROWS = _PPT // 128
_CHUNK = HW_ // _TPB


def _sc_gather_scatter(xg, w4, ii4, oi4, zeros):
    mesh = plsc.VectorSubcoreMesh(core_axis_name="c", subcore_axis_name="s")

    @functools.partial(
        pl.kernel,
        out_type=jax.ShapeDtypeStruct((B_, HW_), jnp.float32),
        mesh=mesh,
        compiler_params=pltpu.CompilerParams(needs_layout_passes=False),
        scratch_types=[
            pltpu.VMEM((_ROWS, 128), jnp.float32),
            pltpu.VMEM((_ROWS, 128), jnp.int32),
            pltpu.VMEM((_ROWS, 128), jnp.int32),
            pltpu.VMEM((_ROWS, 128), jnp.float32),
            pltpu.VMEM_SHARED((2 * HW_,), jnp.float32),
            pltpu.SemaphoreType.DMA,
        ],
    )
    def k(x_hbm, w_hbm, ii_hbm, oi_hbm, z_hbm, out_hbm,
          wv, iiv, oiv, gv, ysh, sem):
        c = lax.axis_index("c")
        s = lax.axis_index("s")
        bb = s // _TPB
        jj = s % _TPB
        b = c * 2 + bb
        seg = bb * HW_ + jj * _CHUNK
        in_cps = [
            pltpu.async_copy(ii_hbm.at[b, jj], iiv, sem),
            pltpu.async_copy(w_hbm.at[b, jj], wv, sem),
            pltpu.async_copy(oi_hbm.at[b, jj], oiv, sem),
            pltpu.async_copy(z_hbm.at[pl.ds(0, _CHUNK)],
                             ysh.at[pl.ds(seg, _CHUNK)], sem),
        ]
        for cp in in_cps:
            cp.wait()
        cps = [pltpu.async_copy(x_hbm.at[iiv.at[r]], gv.at[r], sem)
               for r in range(_ROWS)]
        for cp in cps:
            cp.wait()
        for r in range(_ROWS):
            for cc in range(128 // LANES):
                sl = pl.ds(cc * LANES, LANES)
                gv[r, sl] = gv[r, sl] * wv[r, sl]
        plsc.subcore_barrier()
        for r in range(_ROWS):
            pltpu.sync_copy(gv.at[r], ysh.at[oiv.at[r]], add=True)
        plsc.subcore_barrier()
        pltpu.sync_copy(ysh.at[pl.ds(seg, _CHUNK)],
                        out_hbm.at[b, pl.ds(jj * _CHUNK, _CHUNK)])

    return k(xg, w4, ii4, oi4, zeros)


def kernel(x, means, sigmas, values, indices):
    ptsT = indices.astype(jnp.float32).transpose(0, 2, 1)
    values3 = values[:, :, None]
    w = _tc_weights(ptsT, means, sigmas, values3)
    w = w.reshape(B_, N_)
    boff = jnp.arange(B_, dtype=jnp.int32)[:, None]
    oidx = indices[:, :, 0] * 128 + indices[:, :, 1] + (boff % 2) * HW_
    iidx = indices[:, :, 2] * 128 + indices[:, :, 3] + boff * HW_
    w4 = w.reshape(B_, _TPB, _ROWS, 128)
    ii4 = iidx.reshape(B_, _TPB, _ROWS, 128)
    oi4 = oidx.reshape(B_, _TPB, _ROWS, 128)
    xg = x.reshape(B_ * HW_)
    zeros = jnp.zeros((_CHUNK,), jnp.float32)
    y = _sc_gather_scatter(xg, w4, ii4, oi4, zeros)
    return y.reshape(B_, 128, 128)

# --- scband reference (transcript-rebuilt; emitter-appended) ---
"""Pipeline reference for scband-hyper-layer-31868657336333 (READ-ONLY COPY).

The authoritative reference and input builder live on the scoring server;
editing this copy changes nothing except your own understanding.
"""

import jax, jax.numpy as jnp
import numpy as np

EPSILON = 1e-06
B, N, K, RANK = 4, 4096, 256, 4
H_IN = W_IN = 128
H_OUT = W_OUT = 128


def setup_inputs(seed: int = 0) -> dict:
    key = jax.random.key(seed)
    k1, k2, k3, k4, k5 = jax.random.split(key, 5)
    x = jax.random.normal(k1, (B, H_IN, W_IN), dtype=jnp.float32)
    # continuous index tuples (means) live in the index space [0, dim-1]
    means = jax.random.uniform(k2, (B, K, RANK), dtype=jnp.float32) * 127.0
    sigmas = jax.random.uniform(k3, (B, K, RANK), dtype=jnp.float32) * 4.0 + 0.5
    values = jax.random.normal(k4, (B, K), dtype=jnp.float32)
    indices = jax.random.randint(k5, (B, N, RANK), 0, 128, dtype=jnp.int32)
    return {"x": x, "means": means, "sigmas": sigmas, "values": values, "indices": indices}


def densities(points, means, sigmas):
    # points: (B, n, rank); means/sigmas: (B, k, rank)
    # faithful to the torch reference: diff scaled by sqrt(1/(eps+sigma)), then
    # squared-norm via the bmm(points, points^T) trick == sum of squares over rank
    p = points[:, :, None, :]
    m = means[:, None, :, :]
    s = sigmas[:, None, :, :]
    sig_sq = jnp.sqrt(1.0 / (EPSILON + s))
    d = (p - m) * sig_sq
    products = jnp.sum(d * d, axis=-1)  # (B, n, k)
    return jnp.exp(-0.5 * products)


def reference(x, means, sigmas, values, indices):
    # HyperLayer core forward: evaluate unnormalized MVN densities of the sampled
    # integer index tuples under the k continuous index tuples produced by the
    # hypernetwork, normalize over the sampled points, weight by the k values,
    # then materialize the implied sparse weight tensor as gather(x) -> scatter-add(y).
    pts = indices.astype(jnp.float32)
    props = densities(pts, means, sigmas)  # (B, n, k)
    props = props / (jnp.sum(props, axis=1, keepdims=True) + EPSILON)
    w = jnp.sum(props * values[:, None, :], axis=2)  # (B, n) weight per integer tuple
    out_idx = indices[:, :, 0] * W_OUT + indices[:, :, 1]  # (B, n)
    in_idx = indices[:, :, 2] * W_IN + indices[:, :, 3]    # (B, n)
    xflat = x.reshape(B, H_IN * W_IN)
    gathered = jnp.take_along_axis(xflat, in_idx, axis=1) * w
    y = jnp.zeros((B, H_OUT * W_OUT), dtype=x.dtype)
    y = y.at[jnp.arange(B)[:, None], out_idx].add(gathered)
    return y.reshape(B, H_OUT, W_OUT)

if __name__ == "__main__":
    import jax
    _d = setup_inputs()
    print(jax.jit(kernel)(*tuple(_d.values())))

</pallas_src>

<mosaic_0001>
#map = affine_map<(d0, d1) -> (0)>
#map1 = affine_map<(d0, d1) -> (0, 0, 0, 0)>
#map2 = affine_map<(d0, d1) -> (0, 0)>
module attributes {stable_mosaic.version = 14 : i64} {
  func.func @k(%arg0: i32, %arg1: i32, %arg2: memref<65536xf32, #tpu.memory_space<hbm>>, %arg3: memref<4x8x4x128xf32, #tpu.memory_space<hbm>>, %arg4: memref<4x8x4x128xi32, #tpu.memory_space<hbm>>, %arg5: memref<4x8x4x128xi32, #tpu.memory_space<hbm>>, %arg6: memref<2048xf32, #tpu.memory_space<hbm>>, %arg7: memref<4x16384xf32, #tpu.memory_space<hbm>>, %arg8: memref<4x128xf32, #tpu.memory_space<vmem>>, %arg9: memref<4x128xi32, #tpu.memory_space<vmem>>, %arg10: memref<4x128xi32, #tpu.memory_space<vmem>>, %arg11: memref<4x128xf32, #tpu.memory_space<vmem>>, %arg12: memref<32768xf32, #tpu.memory_space<vmem_shared>>, %arg13: memref<!tpu.dma_semaphore, #tpu.memory_space<semaphore_mem>>) attributes {dimension_semantics = [#tpu.dimension_semantics<core_parallel>, #tpu.dimension_semantics<subcore_parallel>], iteration_bounds = array<i64: 2, 16>, scalar_prefetch = 0 : i64, scratch_operands = 6 : i64, tpu.core_type = #tpu.core_type<sc_vector_subcore>, window_params = [{transform_indices = #map}, {transform_indices = #map1}, {transform_indices = #map1}, {transform_indices = #map1}, {transform_indices = #map}, {transform_indices = #map2}]} {
    %jit3A = arith.constant 8 : i32
    %div3A = arith.divsi %arg1, %jit3A : i32
    %sign3A = arith.constant 0 : i32
    %sign3A_0 = arith.cmpi sgt, %arg1, %sign3A : i32
    %sign3A_1 = arith.extui %sign3A_0 : i1 to i32
    %sign3A_2 = arith.constant 0 : i32
    %sign3A_3 = arith.cmpi slt, %arg1, %sign3A_2 : i32
    %sign3A_4 = arith.extui %sign3A_3 : i1 to i32
    %sign3A_5 = arith.subi %sign3A_1, %sign3A_4 : i32
    %sign3A_6 = arith.constant 0 : i32
    %sign3A_7 = arith.cmpi sgt, %jit3A, %sign3A_6 : i32
    %sign3A_8 = arith.extui %sign3A_7 : i1 to i32
    %sign3A_9 = arith.constant 0 : i32
    %sign3A_10 = arith.cmpi slt, %jit3A, %sign3A_9 : i32
    %sign3A_11 = arith.extui %sign3A_10 : i1 to i32
    %sign3A_12 = arith.subi %sign3A_8, %sign3A_11 : i32
    %ne3A = arith.cmpi ne, %sign3A_5, %sign3A_12 : i32
    %rem3A = arith.remsi %arg1, %jit3A : i32
    %ne3A_13 = arith.constant 0 : i32
    %ne3A_14 = arith.cmpi ne, %rem3A, %ne3A_13 : i32
    %and3A = arith.andi %ne3A, %ne3A_14 : i1
    %sub3A = arith.constant 1 : i32
    %sub3A_15 = arith.subi %div3A, %sub3A : i32
    %select_n3A = arith.select %and3A, %sub3A_15, %div3A : i32
    %jit3A_16 = arith.constant 8 : i32
    %eq3A = arith.constant 0 : i32
    %eq3A_17 = arith.cmpi eq, %jit3A_16, %eq3A : i32
    %jit3A_18 = arith.constant 1 : i32
    %select_n3A_19 = arith.select %eq3A_17, %jit3A_18, %jit3A_16 : i32
    %rem3A_20 = arith.remsi %arg1, %select_n3A_19 : i32
    %ne3A_21 = arith.constant 0 : i32
    %ne3A_22 = arith.cmpi ne, %rem3A_20, %ne3A_21 : i32
    %lt3A = arith.constant 0 : i32
    %lt3A_23 = arith.cmpi slt, %rem3A_20, %lt3A : i32
    %lt3A_24 = arith.constant 0 : i32
    %lt3A_25 = arith.cmpi slt, %select_n3A_19, %lt3A_24 : i32
    %ne3A_26 = arith.xori %lt3A_23, %lt3A_25 : i1
    %and3A_27 = arith.andi %ne3A_26, %ne3A_22 : i1
    %add3A = arith.addi %rem3A_20, %select_n3A_19 : i32
    %select_n3A_28 = arith.select %and3A_27, %add3A, %rem3A_20 : i32
    %mul3A = arith.constant 2 : i32
    %mul3A_29 = arith.muli %arg0, %mul3A : i32
    %add3A_30 = arith.addi %mul3A_29, %select_n3A : i32
    %mul3A_31 = arith.constant 16384 : i32
    %mul3A_32 = arith.muli %select_n3A, %mul3A_31 : i32
    %mul3A_33 = arith.constant 2048 : i32
    %mul3A_34 = arith.muli %select_n3A_28, %mul3A_33 : i32
    %add3A_35 = arith.addi %mul3A_32, %mul3A_34 : i32
    %dma_start3A = arith.constant 0 : i32
    %dma_start3A_36 = arith.constant 0 : i32
    %dma_start3A_37 = tpu.memref_slice %arg4[%add3A_30, %select_n3A_28, %dma_start3A, %dma_start3A_36] : memref<4x8x4x128xi32, #tpu.memory_space<hbm>> -> memref<1x1x4x128xi32, #tpu.memory_space<hbm>>
    %dma_start3A_38 = tpu.memref_squeeze %dma_start3A_37 : memref<1x1x4x128xi32, #tpu.memory_space<hbm>> -> memref<4x128xi32, #tpu.memory_space<hbm>>
    %dma_start3A_39 = arith.constant 0 : i32
    %dma_start3A_40 = arith.constant 0 : i32
    %dma_start3A_41 = tpu.memref_slice %arg4[%add3A_30, %select_n3A_28, %dma_start3A_39, %dma_start3A_40] : memref<4x8x4x128xi32, #tpu.memory_space<hbm>> -> memref<1x1x4x128xi32, #tpu.memory_space<hbm>>
    %dma_start3A_42 = tpu.memref_squeeze %dma_start3A_41 : memref<1x1x4x128xi32, #tpu.memory_space<hbm>> -> memref<4x128xi32, #tpu.memory_space<hbm>>
    tpu.enqueue_dma source(%dma_start3A_42 : memref<4x128xi32, #tpu.memory_space<hbm>>) target(%arg9 : memref<4x128xi32, #tpu.memory_space<vmem>>) target_semaphore(%arg13 : memref<!tpu.dma_semaphore, #tpu.memory_space<semaphore_mem>>)
    %dma_start3A_43 = arith.constant 0 : i32
    %dma_start3A_44 = arith.constant 0 : i32
    %dma_start3A_45 = tpu.memref_slice %arg3[%add3A_30, %select_n3A_28, %dma_start3A_43, %dma_start3A_44] : memref<4x8x4x128xf32, #tpu.memory_space<hbm>> -> memref<1x1x4x128xf32, #tpu.memory_space<hbm>>
    %dma_start3A_46 = tpu.memref_squeeze %dma_start3A_45 : memref<1x1x4x128xf32, #tpu.memory_space<hbm>> -> memref<4x128xf32, #tpu.memory_space<hbm>>
    %dma_start3A_47 = arith.constant 0 : i32
    %dma_start3A_48 = arith.constant 0 : i32
    %dma_start3A_49 = tpu.memref_slice %arg3[%add3A_30, %select_n3A_28, %dma_start3A_47, %dma_start3A_48] : memref<4x8x4x128xf32, #tpu.memory_space<hbm>> -> memref<1x1x4x128xf32, #tpu.memory_space<hbm>>
    %dma_start3A_50 = tpu.memref_squeeze %dma_start3A_49 : memref<1x1x4x128xf32, #tpu.memory_space<hbm>> -> memref<4x128xf32, #tpu.memory_space<hbm>>
    tpu.enqueue_dma source(%dma_start3A_50 : memref<4x128xf32, #tpu.memory_space<hbm>>) target(%arg8 : memref<4x128xf32, #tpu.memory_space<vmem>>) target_semaphore(%arg13 : memref<!tpu.dma_semaphore, #tpu.memory_space<semaphore_mem>>)
    %dma_start3A_51 = arith.constant 0 : i32
    %dma_start3A_52 = arith.constant 0 : i32
    %dma_start3A_53 = tpu.memref_slice %arg5[%add3A_30, %select_n3A_28, %dma_start3A_51, %dma_start3A_52] : memref<4x8x4x128xi32, #tpu.memory_space<hbm>> -> memref<1x1x4x128xi32, #tpu.memory_space<hbm>>
    %dma_start3A_54 = tpu.memref_squeeze %dma_start3A_53 : memref<1x1x4x128xi32, #tpu.memory_space<hbm>> -> memref<4x128xi32, #tpu.memory_space<hbm>>
    %dma_start3A_55 = arith.constant 0 : i32
    %dma_start3A_56 = arith.constant 0 : i32
    %dma_start3A_57 = tpu.memref_slice %arg5[%add3A_30, %select_n3A_28, %dma_start3A_55, %dma_start3A_56] : memref<4x8x4x128xi32, #tpu.memory_space<hbm>> -> memref<1x1x4x128xi32, #tpu.memory_space<hbm>>
    %dma_start3A_58 = tpu.memref_squeeze %dma_start3A_57 : memref<1x1x4x128xi32, #tpu.memory_space<hbm>> -> memref<4x128xi32, #tpu.memory_space<hbm>>
    tpu.enqueue_dma source(%dma_start3A_58 : memref<4x128xi32, #tpu.memory_space<hbm>>) target(%arg10 : memref<4x128xi32, #tpu.memory_space<vmem>>) target_semaphore(%arg13 : memref<!tpu.dma_semaphore, #tpu.memory_space<semaphore_mem>>)
    %dma_start3A_59 = tpu.memref_slice %arg12[%add3A_35] : memref<32768xf32, #tpu.memory_space<vmem_shared>> -> memref<2048xf32, #tpu.memory_space<vmem_shared>>
    %dma_start3A_60 = arith.constant 0 : i32
    %dma_start3A_61 = tpu.memref_slice %arg6[%dma_start3A_60] : memref<2048xf32, #tpu.memory_space<hbm>> -> memref<2048xf32, #tpu.memory_space<hbm>>
    tpu.enqueue_dma source(%dma_start3A_61 : memref<2048xf32, #tpu.memory_space<hbm>>) target(%dma_start3A_59 : memref<2048xf32, #tpu.memory_space<vmem_shared>>) target_semaphore(%arg13 : memref<!tpu.dma_semaphore, #tpu.memory_space<semaphore_mem>>)
    %dma_wait3A = arith.constant 0 : i32
    %dma_wait3A_62 = arith.constant 0 : i32
    %dma_wait3A_63 = tpu.memref_slice %arg4[%add3A_30, %select_n3A_28, %dma_wait3A, %dma_wait3A_62] : memref<4x8x4x128xi32, #tpu.memory_space<hbm>> -> memref<1x1x4x128xi32, #tpu.memory_space<hbm>>
    %dma_wait3A_64 = tpu.memref_squeeze %dma_wait3A_63 : memref<1x1x4x128xi32, #tpu.memory_space<hbm>> -> memref<4x128xi32, #tpu.memory_space<hbm>>
    %dma_wait3A_65 = arith.constant 0 : i32
    %dma_wait3A_66 = arith.constant 0 : i32
    %dma_wait3A_67 = tpu.memref_slice %arg4[%add3A_30, %select_n3A_28, %dma_wait3A_65, %dma_wait3A_66] : memref<4x8x4x128xi32, #tpu.memory_space<hbm>> -> memref<1x1x4x128xi32, #tpu.memory_space<hbm>>
    %dma_wait3A_68 = tpu.memref_squeeze %dma_wait3A_67 : memref<1x1x4x128xi32, #tpu.memory_space<hbm>> -> memref<4x128xi32, #tpu.memory_space<hbm>>
    tpu.wait_dma2 semaphore(%arg13 : memref<!tpu.dma_semaphore, #tpu.memory_space<semaphore_mem>>) src(%dma_wait3A_68 : memref<4x128xi32, #tpu.memory_space<hbm>>) dst(%arg9 : memref<4x128xi32, #tpu.memory_space<vmem>>)
    %dma_wait3A_69 = arith.constant 0 : i32
    %dma_wait3A_70 = arith.constant 0 : i32
    %dma_wait3A_71 = tpu.memref_slice %arg3[%add3A_30, %select_n3A_28, %dma_wait3A_69, %dma_wait3A_70] : memref<4x8x4x128xf32, #tpu.memory_space<hbm>> -> memref<1x1x4x128xf32, #tpu.memory_space<hbm>>
    %dma_wait3A_72 = tpu.memref_squeeze %dma_wait3A_71 : memref<1x1x4x128xf32, #tpu.memory_space<hbm>> -> memref<4x128xf32, #tpu.memory_space<hbm>>
    %dma_wait3A_73 = arith.constant 0 : i32
    %dma_wait3A_74 = arith.constant 0 : i32
    %dma_wait3A_75 = tpu.memref_slice %arg3[%add3A_30, %select_n3A_28, %dma_wait3A_73, %dma_wait3A_74] : memref<4x8x4x128xf32, #tpu.memory_space<hbm>> -> memref<1x1x4x128xf32, #tpu.memory_space<hbm>>
    %dma_wait3A_76 = tpu.memref_squeeze %dma_wait3A_75 : memref<1x1x4x128xf32, #tpu.memory_space<hbm>> -> memref<4x128xf32, #tpu.memory_space<hbm>>
    tpu.wait_dma2 semaphore(%arg13 : memref<!tpu.dma_semaphore, #tpu.memory_space<semaphore_mem>>) src(%dma_wait3A_76 : memref<4x128xf32, #tpu.memory_space<hbm>>) dst(%arg8 : memref<4x128xf32, #tpu.memory_space<vmem>>)
    %dma_wait3A_77 = arith.constant 0 : i32
    %dma_wait3A_78 = arith.constant 0 : i32
    %dma_wait3A_79 = tpu.memref_slice %arg5[%add3A_30, %select_n3A_28, %dma_wait3A_77, %dma_wait3A_78] : memref<4x8x4x128xi32, #tpu.memory_space<hbm>> -> memref<1x1x4x128xi32, #tpu.memory_space<hbm>>
    %dma_wait3A_80 = tpu.memref_squeeze %dma_wait3A_79 : memref<1x1x4x128xi32, #tpu.memory_space<hbm>> -> memref<4x128xi32, #tpu.memory_space<hbm>>
    %dma_wait3A_81 = arith.constant 0 : i32
    %dma_wait3A_82 = arith.constant 0 : i32
    %dma_wait3A_83 = tpu.memref_slice %arg5[%add3A_30, %select_n3A_28, %dma_wait3A_81, %dma_wait3A_82] : memref<4x8x4x128xi32, #tpu.memory_space<hbm>> -> memref<1x1x4x128xi32, #tpu.memory_space<hbm>>
    %dma_wait3A_84 = tpu.memref_squeeze %dma_wait3A_83 : memref<1x1x4x128xi32, #tpu.memory_space<hbm>> -> memref<4x128xi32, #tpu.memory_space<hbm>>
    tpu.wait_dma2 semaphore(%arg13 : memref<!tpu.dma_semaphore, #tpu.memory_space<semaphore_mem>>) src(%dma_wait3A_84 : memref<4x128xi32, #tpu.memory_space<hbm>>) dst(%arg10 : memref<4x128xi32, #tpu.memory_space<vmem>>)
    %dma_wait3A_85 = tpu.memref_slice %arg12[%add3A_35] : memref<32768xf32, #tpu.memory_space<vmem_shared>> -> memref<2048xf32, #tpu.memory_space<vmem_shared>>
    %dma_wait3A_86 = arith.constant 0 : i32
    %dma_wait3A_87 = tpu.memref_slice %arg6[%dma_wait3A_86] : memref<2048xf32, #tpu.memory_space<hbm>> -> memref<2048xf32, #tpu.memory_space<hbm>>
    tpu.wait_dma2 semaphore(%arg13 : memref<!tpu.dma_semaphore, #tpu.memory_space<semaphore_mem>>) src(%dma_wait3A_87 : memref<2048xf32, #tpu.memory_space<hbm>>) dst(%dma_wait3A_85 : memref<2048xf32, #tpu.memory_space<vmem_shared>>)
    %dma_start3A_88 = arith.constant 0 : i32
    %dma_start3A_89 = arith.constant 0 : i32
    %dma_start3A_90 = arith.constant 0 : i32
    %dma_start3A_91 = tpu.memref_slice %arg11[%dma_start3A_89, %dma_start3A_90] : memref<4x128xf32, #tpu.memory_space<vmem>> -> memref<1x128xf32, #tpu.memory_space<vmem>>
    %dma_start3A_92 = tpu.memref_squeeze %dma_start3A_91 : memref<1x128xf32, #tpu.memory_space<vmem>> -> memref<128xf32, #tpu.memory_space<vmem>>
    %dma_start3A_93 = arith.constant 0 : i32
    %dma_start3A_94 = tpu.memref_slice %arg9[%dma_start3A_88, %dma_start3A_93] : memref<4x128xi32, #tpu.memory_space<vmem>> -> memref<1x128xi32, #tpu.memory_space<vmem>>
    %dma_start3A_95 = tpu.memref_squeeze %dma_start3A_94 : memref<1x128xi32, #tpu.memory_space<vmem>> -> memref<128xi32, #tpu.memory_space<vmem>>
    %dma_start3A_96 = arith.constant 0 : i32
    %dma_start3A_97 = tpu.memref_slice %arg2[%dma_start3A_96] : memref<65536xf32, #tpu.memory_space<hbm>> -> memref<65536xf32, #tpu.memory_space<hbm>>
    tpu.enqueue_indirect_dma source(%dma_start3A_97 : memref<65536xf32, #tpu.memory_space<hbm>>) target(%dma_start3A_92 : memref<128xf32, #tpu.memory_space<vmem>>) offsets(%dma_start3A_95 : memref<128xi32, #tpu.memory_space<vmem>>) semaphore(%arg13 : memref<!tpu.dma_semaphore, #tpu.memory_space<semaphore_mem>>)
    %dma_start3A_98 = arith.constant 1 : i32
    %dma_start3A_99 = arith.constant 1 : i32
    %dma_start3A_100 = arith.constant 0 : i32
    %dma_start3A_101 = tpu.memref_slice %arg11[%dma_start3A_99, %dma_start3A_100] : memref<4x128xf32, #tpu.memory_space<vmem>> -> memref<1x128xf32, #tpu.memory_space<vmem>>
    %dma_start3A_102 = tpu.memref_squeeze %dma_start3A_101 : memref<1x128xf32, #tpu.memory_space<vmem>> -> memref<128xf32, #tpu.memory_space<vmem>>
    %dma_start3A_103 = arith.constant 0 : i32
    %dma_start3A_104 = tpu.memref_slice %arg9[%dma_start3A_98, %dma_start3A_103] : memref<4x128xi32, #tpu.memory_space<vmem>> -> memref<1x128xi32, #tpu.memory_space<vmem>>
    %dma_start3A_105 = tpu.memref_squeeze %dma_start3A_104 : memref<1x128xi32, #tpu.memory_space<vmem>> -> memref<128xi32, #tpu.memory_space<vmem>>
    %dma_start3A_106 = arith.constant 0 : i32
    %dma_start3A_107 = tpu.memref_slice %arg2[%dma_start3A_106] : memref<65536xf32, #tpu.memory_space<hbm>> -> memref<65536xf32, #tpu.memory_space<hbm>>
    tpu.enqueue_indirect_dma source(%dma_start3A_107 : memref<65536xf32, #tpu.memory_space<hbm>>) target(%dma_start3A_102 : memref<128xf32, #tpu.memory_space<vmem>>) offsets(%dma_start3A_105 : memref<128xi32, #tpu.memory_space<vmem>>) semaphore(%arg13 : memref<!tpu.dma_semaphore, #tpu.memory_space<semaphore_mem>>)
    %dma_start3A_108 = arith.constant 2 : i32
    %dma_start3A_109 = arith.constant 2 : i32
    %dma_start3A_110 = arith.constant 0 : i32
    %dma_start3A_111 = tpu.memref_slice %arg11[%dma_start3A_109, %dma_start3A_110] : memref<4x128xf32, #tpu.memory_space<vmem>> -> memref<1x128xf32, #tpu.memory_space<vmem>>
    %dma_start3A_112 = tpu.memref_squeeze %dma_start3A_111 : memref<1x128xf32, #tpu.memory_space<vmem>> -> memref<128xf32, #tpu.memory_space<vmem>>
    %dma_start3A_113 = arith.constant 0 : i32
    %dma_start3A_114 = tpu.memref_slice %arg9[%dma_start3A_108, %dma_start3A_113] : memref<4x128xi32, #tpu.memory_space<vmem>> -> memref<1x128xi32, #tpu.memory_space<vmem>>
    %dma_start3A_115 = tpu.memref_squeeze %dma_start3A_114 : memref<1x128xi32, #tpu.memory_space<vmem>> -> memref<128xi32, #tpu.memory_space<vmem>>
    %dma_start3A_116 = arith.constant 0 : i32
    %dma_start3A_117 = tpu.memref_slice %arg2[%dma_start3A_116] : memref<65536xf32, #tpu.memory_space<hbm>> -> memref<65536xf32, #tpu.memory_space<hbm>>
    tpu.enqueue_indirect_dma source(%dma_start3A_117 : memref<65536xf32, #tpu.memory_space<hbm>>) target(%dma_start3A_112 : memref<128xf32, #tpu.memory_space<vmem>>) offsets(%dma_start3A_115 : memref<128xi32, #tpu.memory_space<vmem>>) semaphore(%arg13 : memref<!tpu.dma_semaphore, #tpu.memory_space<semaphore_mem>>)
    %dma_start3A_118 = arith.constant 3 : i32
    %dma_start3A_119 = arith.constant 3 : i32
    %dma_start3A_120 = arith.constant 0 : i32
    %dma_start3A_121 = tpu.memref_slice %arg11[%dma_start3A_119, %dma_start3A_120] : memref<4x128xf32, #tpu.memory_space<vmem>> -> memref<1x128xf32, #tpu.memory_space<vmem>>
    %dma_start3A_122 = tpu.memref_squeeze %dma_start3A_121 : memref<1x128xf32, #tpu.memory_space<vmem>> -> memref<128xf32, #tpu.memory_space<vmem>>
    %dma_start3A_123 = arith.constant 0 : i32
    %dma_start3A_124 = tpu.memref_slice %arg9[%dma_start3A_118, %dma_start3A_123] : memref<4x128xi32, #tpu.memory_space<vmem>> -> memref<1x128xi32, #tpu.memory_space<vmem>>
    %dma_start3A_125 = tpu.memref_squeeze %dma_start3A_124 : memref<1x128xi32, #tpu.memory_space<vmem>> -> memref<128xi32, #tpu.memory_space<vmem>>
    %dma_start3A_126 = arith.constant 0 : i32
    %dma_start3A_127 = tpu.memref_slice %arg2[%dma_start3A_126] : memref<65536xf32, #tpu.memory_space<hbm>> -> memref<65536xf32, #tpu.memory_space<hbm>>
    tpu.enqueue_indirect_dma source(%dma_start3A_127 : memref<65536xf32, #tpu.memory_space<hbm>>) target(%dma_start3A_122 : memref<128xf32, #tpu.memory_space<vmem>>) offsets(%dma_start3A_125 : memref<128xi32, #tpu.memory_space<vmem>>) semaphore(%arg13 : memref<!tpu.dma_semaphore, #tpu.memory_space<semaphore_mem>>)
    %dma_wait3A_128 = arith.constant 0 : i32
    %dma_wait3A_129 = arith.constant 0 : i32
    %dma_wait3A_130 = arith.constant 0 : i32
    %dma_wait3A_131 = tpu.memref_slice %arg11[%dma_wait3A_129, %dma_wait3A_130] : memref<4x128xf32, #tpu.memory_space<vmem>> -> memref<1x128xf32, #tpu.memory_space<vmem>>
    %dma_wait3A_132 = tpu.memref_squeeze %dma_wait3A_131 : memref<1x128xf32, #tpu.memory_space<vmem>> -> memref<128xf32, #tpu.memory_space<vmem>>
    %dma_wait3A_133 = arith.constant 0 : i32
    %dma_wait3A_134 = tpu.memref_slice %arg9[%dma_wait3A_128, %dma_wait3A_133] : memref<4x128xi32, #tpu.memory_space<vmem>> -> memref<1x128xi32, #tpu.memory_space<vmem>>
    %dma_wait3A_135 = tpu.memref_squeeze %dma_wait3A_134 : memref<1x128xi32, #tpu.memory_space<vmem>> -> memref<128xi32, #tpu.memory_space<vmem>>
    %dma_wait3A_136 = arith.constant 0 : i32
    %dma_wait3A_137 = tpu.memref_slice %arg2[%dma_wait3A_136] : memref<65536xf32, #tpu.memory_space<hbm>> -> memref<65536xf32, #tpu.memory_space<hbm>>
    tpu.wait_indirect_dma semaphore(%arg13 : memref<!tpu.dma_semaphore, #tpu.memory_space<semaphore_mem>>) src(%dma_wait3A_137 : memref<65536xf32, #tpu.memory_space<hbm>>) dst(%dma_wait3A_132 : memref<128xf32, #tpu.memory_space<vmem>>)
    %dma_wait3A_138 = arith.constant 1 : i32
    %dma_wait3A_139 = arith.constant 1 : i32
    %dma_wait3A_140 = arith.constant 0 : i32
    %dma_wait3A_141 = tpu.memref_slice %arg11[%dma_wait3A_139, %dma_wait3A_140] : memref<4x128xf32, #tpu.memory_space<vmem>> -> memref<1x128xf32, #tpu.memory_space<vmem>>
    %dma_wait3A_142 = tpu.memref_squeeze %dma_wait3A_141 : memref<1x128xf32, #tpu.memory_space<vmem>> -> memref<128xf32, #tpu.memory_space<vmem>>
    %dma_wait3A_143 = arith.constant 0 : i32
    %dma_wait3A_144 = tpu.memref_slice %arg9[%dma_wait3A_138, %dma_wait3A_143] : memref<4x128xi32, #tpu.memory_space<vmem>> -> memref<1x128xi32, #tpu.memory_space<vmem>>
    %dma_wait3A_145 = tpu.memref_squeeze %dma_wait3A_144 : memref<1x128xi32, #tpu.memory_space<vmem>> -> memref<128xi32, #tpu.memory_space<vmem>>
    %dma_wait3A_146 = arith.constant 0 : i32
    %dma_wait3A_147 = tpu.memref_slice %arg2[%dma_wait3A_146] : memref<65536xf32, #tpu.memory_space<hbm>> -> memref<65536xf32, #tpu.memory_space<hbm>>
    tpu.wait_indirect_dma semaphore(%arg13 : memref<!tpu.dma_semaphore, #tpu.memory_space<semaphore_mem>>) src(%dma_wait3A_147 : memref<65536xf32, #tpu.memory_space<hbm>>) dst(%dma_wait3A_142 : memref<128xf32, #tpu.memory_space<vmem>>)
    %dma_wait3A_148 = arith.constant 2 : i32
    %dma_wait3A_149 = arith.constant 2 : i32
    %dma_wait3A_150 = arith.constant 0 : i32
    %dma_wait3A_151 = tpu.memref_slice %arg11[%dma_wait3A_149, %dma_wait3A_150] : memref<4x128xf32, #tpu.memory_space<vmem>> -> memref<1x128xf32, #tpu.memory_space<vmem>>
    %dma_wait3A_152 = tpu.memref_squeeze %dma_wait3A_151 : memref<1x128xf32, #tpu.memory_space<vmem>> -> memref<128xf32, #tpu.memory_space<vmem>>
    %dma_wait3A_153 = arith.constant 0 : i32
    %dma_wait3A_154 = tpu.memref_slice %arg9[%dma_wait3A_148, %dma_wait3A_153] : memref<4x128xi32, #tpu.memory_space<vmem>> -> memref<1x128xi32, #tpu.memory_space<vmem>>
    %dma_wait3A_155 = tpu.memref_squeeze %dma_wait3A_154 : memref<1x128xi32, #tpu.memory_space<vmem>> -> memref<128xi32, #tpu.memory_space<vmem>>
    %dma_wait3A_156 = arith.constant 0 : i32
    %dma_wait3A_157 = tpu.memref_slice %arg2[%dma_wait3A_156] : memref<65536xf32, #tpu.memory_space<hbm>> -> memref<65536xf32, #tpu.memory_space<hbm>>
    tpu.wait_indirect_dma semaphore(%arg13 : memref<!tpu.dma_semaphore, #tpu.memory_space<semaphore_mem>>) src(%dma_wait3A_157 : memref<65536xf32, #tpu.memory_space<hbm>>) dst(%dma_wait3A_152 : memref<128xf32, #tpu.memory_space<vmem>>)
    %dma_wait3A_158 = arith.constant 3 : i32
    %dma_wait3A_159 = arith.constant 3 : i32
    %dma_wait3A_160 = arith.constant 0 : i32
    %dma_wait3A_161 = tpu.memref_slice %arg11[%dma_wait3A_159, %dma_wait3A_160] : memref<4x128xf32, #tpu.memory_space<vmem>> -> memref<1x128xf32, #tpu.memory_space<vmem>>
    %dma_wait3A_162 = tpu.memref_squeeze %dma_wait3A_161 : memref<1x128xf32, #tpu.memory_space<vmem>> -> memref<128xf32, #tpu.memory_space<vmem>>
    %dma_wait3A_163 = arith.constant 0 : i32
    %dma_wait3A_164 = tpu.memref_slice %arg9[%dma_wait3A_158, %dma_wait3A_163] : memref<4x128xi32, #tpu.memory_space<vmem>> -> memref<1x128xi32, #tpu.memory_space<vmem>>
    %dma_wait3A_165 = tpu.memref_squeeze %dma_wait3A_164 : memref<1x128xi32, #tpu.memory_space<vmem>> -> memref<128xi32, #tpu.memory_space<vmem>>
    %dma_wait3A_166 = arith.constant 0 : i32
    %dma_wait3A_167 = tpu.memref_slice %arg2[%dma_wait3A_166] : memref<65536xf32, #tpu.memory_space<hbm>> -> memref<65536xf32, #tpu.memory_space<hbm>>
    tpu.wait_indirect_dma semaphore(%arg13 : memref<!tpu.dma_semaphore, #tpu.memory_space<semaphore_mem>>) src(%dma_wait3A_167 : memref<65536xf32, #tpu.memory_space<hbm>>) dst(%dma_wait3A_162 : memref<128xf32, #tpu.memory_space<vmem>>)
    %get3A = arith.constant 0 : i32
    %get3A_168 = arith.index_cast %get3A : i32 to index
    %get3A_169 = arith.constant 0 : index
    %get3A_170 = tpu.vector_load %arg11[%get3A_168, %get3A_169] {strides = array<i32>} : memref<4x128xf32, #tpu.memory_space<vmem>>, vector<16xf32>,
    %get3A_171 = arith.constant 0 : i32
    %get3A_172 = arith.index_cast %get3A_171 : i32 to index
    %get3A_173 = arith.constant 0 : index
    %get3A_174 = tpu.vector_load %arg8[%get3A_172, %get3A_173] {strides = array<i32>} : memref<4x128xf32, #tpu.memory_space<vmem>>, vector<16xf32>,
    %mul3A_175 = arith.mulf %get3A_170, %get3A_174 : vector<16xf32>
    %swap3A = arith.constant 0 : i32
    %swap3A_176 = arith.index_cast %swap3A : i32 to index
    %swap3A_177 = arith.constant 0 : index
    %swap3A_178 = tpu.vector_load %arg11[%swap3A_176, %swap3A_177] {strides = array<i32>} : memref<4x128xf32, #tpu.memory_space<vmem>>, vector<16xf32>,
    tpu.vector_store %arg11[%swap3A_176, %swap3A_177], %mul3A_175 {strides = array<i32>} : memref<4x128xf32, #tpu.memory_space<vmem>>, vector<16xf32>,
    %get3A_179 = arith.constant 0 : i32
    %get3A_180 = arith.index_cast %get3A_179 : i32 to index
    %get3A_181 = arith.constant 16 : index
    %get3A_182 = tpu.vector_load %arg11[%get3A_180, %get3A_181] {strides = array<i32>} : memref<4x128xf32, #tpu.memory_space<vmem>>, vector<16xf32>,
    %get3A_183 = arith.constant 0 : i32
    %get3A_184 = arith.index_cast %get3A_183 : i32 to index
    %get3A_185 = arith.constant 16 : index
    %get3A_186 = tpu.vector_load %arg8[%get3A_184, %get3A_185] {strides = array<i32>} : memref<4x128xf32, #tpu.memory_space<vmem>>, vector<16xf32>,
    %mul3A_187 = arith.mulf %get3A_182, %get3A_186 : vector<16xf32>
    %swap3A_188 = arith.constant 0 : i32
    %swap3A_189 = arith.index_cast %swap3A_188 : i32 to index
    %swap3A_190 = arith.constant 16 : index
    %swap3A_191 = tpu.vector_load %arg11[%swap3A_189, %swap3A_190] {strides = array<i32>} : memref<4x128xf32, #tpu.memory_space<vmem>>, vector<16xf32>,
    tpu.vector_store %arg11[%swap3A_189, %swap3A_190], %mul3A_187 {strides = array<i32>} : memref<4x128xf32, #tpu.memory_space<vmem>>, vector<16xf32>,
    %get3A_192 = arith.constant 0 : i32
    %get3A_193 = arith.index_cast %get3A_192 : i32 to index
    %get3A_194 = arith.constant 32 : index
    %get3A_195 = tpu.vector_load %arg11[%get3A_193, %get3A_194] {strides = array<i32>} : memref<4x128xf32, #tpu.memory_space<vmem>>, vector<16xf32>,
    %get3A_196 = arith.constant 0 : i32
    %get3A_197 = arith.index_cast %get3A_196 : i32 to index
    %get3A_198 = arith.constant 32 : index
    %get3A_199 = tpu.vector_load %arg8[%get3A_197, %get3A_198] {strides = array<i32>} : memref<4x128xf32, #tpu.memory_space<vmem>>, vector<16xf32>,
    %mul3A_200 = arith.mulf %get3A_195, %get3A_199 : vector<16xf32>
    %swap3A_201 = arith.constant 0 : i32
    %swap3A_202 = arith.index_cast %swap3A_201 : i32 to index
    %swap3A_203 = arith.constant 32 : index
    %swap3A_204 = tpu.vector_load %arg11[%swap3A_202, %swap3A_203] {strides = array<i32>} : memref<4x128xf32, #tpu.memory_space<vmem>>, vector<16xf32>,
    tpu.vector_store %arg11[%swap3A_202, %swap3A_203], %mul3A_200 {strides = array<i32>} : memref<4x128xf32, #tpu.memory_space<vmem>>, vector<16xf32>,
    %get3A_205 = arith.constant 0 : i32
    %get3A_206 = arith.index_cast %get3A_205 : i32 to index
    %get3A_207 = arith.constant 48 : index
    %get3A_208 = tpu.vector_load %arg11[%get3A_206, %get3A_207] {strides = array<i32>} : memref<4x128xf32, #tpu.memory_space<vmem>>, vector<16xf32>,
    %get3A_209 = arith.constant 0 : i32
    %get3A_210 = arith.index_cast %get3A_209 : i32 to index
    %get3A_211 = arith.constant 48 : index
    %get3A_212 = tpu.vector_load %arg8[%get3A_210, %get3A_211] {strides = array<i32>} : memref<4x128xf32, #tpu.memory_space<vmem>>, vector<16xf32>,
    %mul3A_213 = arith.mulf %get3A_208, %get3A_212 : vector<16xf32>
    %swap3A_214 = arith.constant 0 : i32
    %swap3A_215 = arith.index_cast %swap3A_214 : i32 to index
    %swap3A_216 = arith.constant 48 : index
    %swap3A_217 = tpu.vector_load %arg11[%swap3A_215, %swap3A_216] {strides = array<i32>} : memref<4x128xf32, #tpu.memory_space<vmem>>, vector<16xf32>,
    tpu.vector_store %arg11[%swap3A_215, %swap3A_216], %mul3A_213 {strides = array<i32>} : memref<4x128xf32, #tpu.memory_space<vmem>>, vector<16xf32>,
    %get3A_218 = arith.constant 0 : i32
    %get3A_219 = arith.index_cast %get3A_218 : i32 to index
    %get3A_220 = arith.constant 64 : index
    %get3A_221 = tpu.vector_load %arg11[%get3A_219, %get3A_220] {strides = array<i32>} : memref<4x128xf32, #tpu.memory_space<vmem>>, vector<16xf32>,
    %get3A_222 = arith.constant 0 : i32
    %get3A_223 = arith.index_cast %get3A_222 : i32 to index
    %get3A_224 = arith.constant 64 : index
    %get3A_225 = tpu.vector_load %arg8[%get3A_223, %get3A_224] {strides = array<i32>} : memref<4x128xf32, #tpu.memory_space<vmem>>, vector<16xf32>,
    %mul3A_226 = arith.mulf %get3A_221, %get3A_225 : vector<16xf32>
    %swap3A_227 = arith.constant 0 : i32
    %swap3A_228 = arith.index_cast %swap3A_227 : i32 to index
    %swap3A_229 = arith.constant 64 : index
    %swap3A_230 = tpu.vector_load %arg11[%swap3A_228, %swap3A_229] {strides = array<i32>} : memref<4x128xf32, #tpu.memory_space<vmem>>, vector<16xf32>,
    tpu.vector_store %arg11[%swap3A_228, %swap3A_229], %mul3A_226 {strides = array<i32>} : memref<4x128xf32, #tpu.memory_space<vmem>>, vector<16xf32>,
    %get3A_231 = arith.constant 0 : i32
    %get3A_232 = arith.index_cast %get3A_231 : i32 to index
    %get3A_233 = arith.constant 80 : index
    %get3A_234 = tpu.vector_load %arg11[%get3A_232, %get3A_233] {strides = array<i32>} : memref<4x128xf32, #tpu.memory_space<vmem>>, vector<16xf32>,
    %get3A_235 = arith.constant 0 : i32
    %get3A_236 = arith.index_cast %get3A_235 : i32 to index
    %get3A_237 = arith.constant 80 : index
    %get3A_238 = tpu.vector_load %arg8[%get3A_236, %get3A_237] {strides = array<i32>} : memref<4x128xf32, #tpu.memory_space<vmem>>, vector<16xf32>,
    %mul3A_239 = arith.mulf %get3A_234, %get3A_238 : vector<16xf32>
    %swap3A_240 = arith.constant 0 : i32
    %swap3A_241 = arith.index_cast %swap3A_240 : i32 to index
    %swap3A_242 = arith.constant 80 : index
    %swap3A_243 = tpu.vector_load %arg11[%swap3A_241, %swap3A_242] {strides = array<i32>} : memref<4x128xf32, #tpu.memory_space<vmem>>, vector<16xf32>,
    tpu.vector_store %arg11[%swap3A_241, %swap3A_242], %mul3A_239 {strides = array<i32>} : memref<4x128xf32, #tpu.memory_space<vmem>>, vector<16xf32>,
    %get3A_244 = arith.constant 0 : i32
    %get3A_245 = arith.index_cast %get3A_244 : i32 to index
    %get3A_246 = arith.constant 96 : index
    %get3A_247 = tpu.vector_load %arg11[%get3A_245, %get3A_246] {strides = array<i32>} : memref<4x128xf32, #tpu.memory_space<vmem>>, vector<16xf32>,
    %get3A_248 = arith.constant 0 : i32
    %get3A_249 = arith.index_cast %get3A_248 : i32 to index
    %get3A_250 = arith.constant 96 : index
    %get3A_251 = tpu.vector_load %arg8[%get3A_249, %get3A_250] {strides = array<i32>} : memref<4x128xf32, #tpu.memory_space<vmem>>, vector<16xf32>,
    %mul3A_252 = arith.mulf %get3A_247, %get3A_251 : vector<16xf32>
    %swap3A_253 = arith.constant 0 : i32
    %swap3A_254 = arith.index_cast %swap3A_253 : i32 to index
    %swap3A_255 = arith.constant 96 : index
    %swap3A_256 = tpu.vector_load %arg11[%swap3A_254, %swap3A_255] {strides = array<i32>} : memref<4x128xf32, #tpu.memory_space<vmem>>, vector<16xf32>,
    tpu.vector_store %arg11[%swap3A_254, %swap3A_255], %mul3A_252 {strides = array<i32>} : memref<4x128xf32, #tpu.memory_space<vmem>>, vector<16xf32>,
    %get3A_257 = arith.constant 0 : i32
    %get3A_258 = arith.index_cast %get3A_257 : i32 to index
    %get3A_259 = arith.constant 112 : index
    %get3A_260 = tpu.vector_load %arg11[%get3A_258, %get3A_259] {strides = array<i32>} : memref<4x128xf32, #tpu.memory_space<vmem>>, vector<16xf32>,
    %get3A_261 = arith.constant 0 : i32
    %get3A_262 = arith.index_cast %get3A_261 : i32 to index
    %get3A_263 = arith.constant 112 : index
    %get3A_264 = tpu.vector_load %arg8[%get3A_262, %get3A_263] {strides = array<i32>} : memref<4x128xf32, #tpu.memory_space<vmem>>, vector<16xf32>,
    %mul3A_265 = arith.mulf %get3A_260, %get3A_264 : vector<16xf32>
    %swap3A_266 = arith.constant 0 : i32
    %swap3A_267 = arith.index_cast %swap3A_266 : i32 to index
    %swap3A_268 = arith.constant 112 : index
    %swap3A_269 = tpu.vector_load %arg11[%swap3A_267, %swap3A_268] {strides = array<i32>} : memref<4x128xf32, #tpu.memory_space<vmem>>, vector<16xf32>,
    tpu.vector_store %arg11[%swap3A_267, %swap3A_268], %mul3A_265 {strides = array<i32>} : memref<4x128xf32, #tpu.memory_space<vmem>>, vector<16xf32>,
    %get3A_270 = arith.constant 1 : i32
    %get3A_271 = arith.index_cast %get3A_270 : i32 to index
    %get3A_272 = arith.constant 0 : index
    %get3A_273 = tpu.vector_load %arg11[%get3A_271, %get3A_272] {strides = array<i32>} : memref<4x128xf32, #tpu.memory_space<vmem>>, vector<16xf32>,
    %get3A_274 = arith.constant 1 : i32
    %get3A_275 = arith.index_cast %get3A_274 : i32 to index
    %get3A_276 = arith.constant 0 : index
    %get3A_277 = tpu.vector_load %arg8[%get3A_275, %get3A_276] {strides = array<i32>} : memref<4x128xf32, #tpu.memory_space<vmem>>, vector<16xf32>,
    %mul3A_278 = arith.mulf %get3A_273, %get3A_277 : vector<16xf32>
    %swap3A_279 = arith.constant 1 : i32
    %swap3A_280 = arith.index_cast %swap3A_279 : i32 to index
    %swap3A_281 = arith.constant 0 : index
    %swap3A_282 = tpu.vector_load %arg11[%swap3A_280, %swap3A_281] {strides = array<i32>} : memref<4x128xf32, #tpu.memory_space<vmem>>, vector<16xf32>,
    tpu.vector_store %arg11[%swap3A_280, %swap3A_281], %mul3A_278 {strides = array<i32>} : memref<4x128xf32, #tpu.memory_space<vmem>>, vector<16xf32>,
    %get3A_283 = arith.constant 1 : i32
    %get3A_284 = arith.index_cast %get3A_283 : i32 to index
    %get3A_285 = arith.constant 16 : index
    %get3A_286 = tpu.vector_load %arg11[%get3A_284, %get3A_285] {strides = array<i32>} : memref<4x128xf32, #tpu.memory_space<vmem>>, vector<16xf32>,
    %get3A_287 = arith.constant 1 : i32
    %get3A_288 = arith.index_cast %get3A_287 : i32 to index
    %get3A_289 = arith.constant 16 : index
    %get3A_290 = tpu.vector_load %arg8[%get3A_288, %get3A_289] {strides = array<i32>} : memref<4x128xf32, #tpu.memory_space<vmem>>, vector<16xf32>,
    %mul3A_291 = arith.mulf %get3A_286, %get3A_290 : vector<16xf32>
    %swap3A_292 = arith.constant 1 : i32
    %swap3A_293 = arith.index_cast %swap3A_292 : i32 to index
    %swap3A_294 = arith.constant 16 : index
    %swap3A_295 = tpu.vector_load %arg11[%swap3A_293, %swap3A_294] {strides = array<i32>} : memref<4x128xf32, #tpu.memory_space<vmem>>, vector<16xf32>,
    tpu.vector_store %arg11[%swap3A_293, %swap3A_294], %mul3A_291 {strides = array<i32>} : memref<4x128xf32, #tpu.memory_space<vmem>>, vector<16xf32>,
    %get3A_296 = arith.constant 1 : i32
    %get3A_297 = arith.index_cast %get3A_296 : i32 to index
    %get3A_298 = arith.constant 32 : index
    %get3A_299 = tpu.vector_load %arg11[%get3A_297, %get3A_298] {strides = array<i32>} : memref<4x128xf32, #tpu.memory_space<vmem>>, vector<16xf32>,
    %get3A_300 = arith.constant 1 : i32
    %get3A_301 = arith.index_cast %get3A_300 : i32 to index
    %get3A_302 = arith.constant 32 : index
    %get3A_303 = tpu.vector_load %arg8[%get3A_301, %get3A_302] {strides = array<i32>} : memref<4x128xf32, #tpu.memory_space<vmem>>, vector<16xf32>,
    %mul3A_304 = arith.mulf %get3A_299, %get3A_303 : vector<16xf32>
    %swap3A_305 = arith.constant 1 : i32
    %swap3A_306 = arith.index_cast %swap3A_305 : i32 to index
    %swap3A_307 = arith.constant 32 : index
    %swap3A_308 = tpu.vector_load %arg11[%swap3A_306, %swap3A_307] {strides = array<i32>} : memref<4x128xf32, #tpu.memory_space<vmem>>, vector<16xf32>,
    tpu.vector_store %arg11[%swap3A_306, %swap3A_307], %mul3A_304 {strides = array<i32>} : memref<4x128xf32, #tpu.memory_space<vmem>>, vector<16xf32>,
    %get3A_309 = arith.constant 1 : i32
    %get3A_310 = arith.index_cast %get3A_309 : i32 to index
    %get3A_311 = arith.constant 48 : index
    %get3A_312 = tpu.vector_load %arg11[%get3A_310, %get3A_311] {strides = array<i32>} : memref<4x128xf32, #tpu.memory_space<vmem>>, vector<16xf32>,
    %get3A_313 = arith.constant 1 : i32
    %get3A_314 = arith.index_cast %get3A_313 : i32 to index
    %get3A_315 = arith.constant 48 : index
    %get3A_316 = tpu.vector_load %arg8[%get3A_314, %get3A_315] {strides = array<i32>} : memref<4x128xf32, #tpu.memory_space<vmem>>, vector<16xf32>,
    %mul3A_317 = arith.mulf %get3A_312, %get3A_316 : vector<16xf32>
    %swap3A_318 = arith.constant 1 : i32
    %swap3A_319 = arith.index_cast %swap3A_318 : i32 to index
    %swap3A_320 = arith.constant 48 : index
    %swap3A_321 = tpu.vector_load %arg11[%swap3A_319, %swap3A_320] {strides = array<i32>} : memref<4x128xf32, #tpu.memory_space<vmem>>, vector<16xf32>,
    tpu.vector_store %arg11[%swap3A_319, %swap3A_320], %mul3A_317 {strides = array<i32>} : memref<4x128xf32, #tpu.memory_space<vmem>>, vector<16xf32>,
    %get3A_322 = arith.constant 1 : i32
    %get3A_323 = arith.index_cast %get3A_322 : i32 to index
    %get3A_324 = arith.constant 64 : index
    %get3A_325 = tpu.vector_load %arg11[%get3A_323, %get3A_324] {strides = array<i32>} : memref<4x128xf32, #tpu.memory_space<vmem>>, vector<16xf32>,
    %get3A_326 = arith.constant 1 : i32
    %get3A_327 = arith.index_cast %get3A_326 : i32 to index
    %get3A_328 = arith.constant 64 : index
    %get3A_329 = tpu.vector_load %arg8[%get3A_327, %get3A_328] {strides = array<i32>} : memref<4x128xf32, #tpu.memory_space<vmem>>, vector<16xf32>,
    %mul3A_330 = arith.mulf %get3A_325, %get3A_329 : vector<16xf32>
    %swap3A_331 = arith.constant 1 : i32
    %swap3A_332 = arith.index_cast %swap3A_331 : i32 to index
    %swap3A_333 = arith.constant 64 : index
    %swap3A_334 = tpu.vector_load %arg11[%swap3A_332, %swap3A_333] {strides = array<i32>} : memref<4x128xf32, #tpu.memory_space<vmem>>, vector<16xf32>,
    tpu.vector_store %arg11[%swap3A_332, %swap3A_333], %mul3A_330 {strides = array<i32>} : memref<4x128xf32, #tpu.memory_space<vmem>>, vector<16xf32>,
    %get3A_335 = arith.constant 1 : i32
    %get3A_336 = arith.index_cast %get3A_335 : i32 to index
    %get3A_337 = arith.constant 80 : index
    %get3A_338 = tpu.vector_load %arg11[%get3A_336, %get3A_337] {strides = array<i32>} : memref<4x128xf32, #tpu.memory_space<vmem>>, vector<16xf32>,
    %get3A_339 = arith.constant 1 : i32
    %get3A_340 = arith.index_cast %get3A_339 : i32 to index
    %get3A_341 = arith.constant 80 : index
    %get3A_342 = tpu.vector_load %arg8[%get3A_340, %get3A_341] {strides = array<i32>} : memref<4x128xf32, #tpu.memory_space<vmem>>, vector<16xf32>,
    %mul3A_343 = arith.mulf %get3A_338, %get3A_342 : vector<16xf32>
    %swap3A_344 = arith.constant 1 : i32
    %swap3A_345 = arith.index_cast %swap3A_344 : i32 to index
    %swap3A_346 = arith.constant 80 : index
    %swap3A_347 = tpu.vector_load %arg11[%swap3A_345, %swap3A_346] {strides = array<i32>} : memref<4x128xf32, #tpu.memory_space<vmem>>, vector<16xf32>,
    tpu.vector_store %arg11[%swap3A_345, %swap3A_346], %mul3A_343 {strides = array<i32>} : memref<4x128xf32, #tpu.memory_space<vmem>>, vector<16xf32>,
    %get3A_348 = arith.constant 1 : i32
    %get3A_349 = arith.index_cast %get3A_348 : i32 to index
    %get3A_350 = arith.constant 96 : index
    %get3A_351 = tpu.vector_load %arg11[%get3A_349, %get3A_350] {strides = array<i32>} : memref<4x128xf32, #tpu.memory_space<vmem>>, vector<16xf32>,
    %get3A_352 = arith.constant 1 : i32
    %get3A_353 = arith.index_cast %get3A_352 : i32 to index
    %get3A_354 = arith.constant 96 : index
    %get3A_355 = tpu.vector_load %arg8[%get3A_353, %get3A_354] {strides = array<i32>} : memref<4x128xf32, #tpu.memory_space<vmem>>, vector<16xf32>,
    %mul3A_356 = arith.mulf %get3A_351, %get3A_355 : vector<16xf32>
    %swap3A_357 = arith.constant 1 : i32
    %swap3A_358 = arith.index_cast %swap3A_357 : i32 to index
    %swap3A_359 = arith.constant 96 : index
    %swap3A_360 = tpu.vector_load %arg11[%swap3A_358, %swap3A_359] {strides = array<i32>} : memref<4x128xf32, #tpu.memory_space<vmem>>, vector<16xf32>,
    tpu.vector_store %arg11[%swap3A_358, %swap3A_359], %mul3A_356 {strides = array<i32>} : memref<4x128xf32, #tpu.memory_space<vmem>>, vector<16xf32>,
    %get3A_361 = arith.constant 1 : i32
    %get3A_362 = arith.index_cast %get3A_361 : i32 to index
    %get3A_363 = arith.constant 112 : index
    %get3A_364 = tpu.vector_load %arg11[%get3A_362, %get3A_363] {strides = array<i32>} : memref<4x128xf32, #tpu.memory_space<vmem>>, vector<16xf32>,
    %get3A_365 = arith.constant 1 : i32
    %get3A_366 = arith.index_cast %get3A_365 : i32 to index
    %get3A_367 = arith.constant 112 : index
    %get3A_368 = tpu.vector_load %arg8[%get3A_366, %get3A_367] {strides = array<i32>} : memref<4x128xf32, #tpu.memory_space<vmem>>, vector<16xf32>,
    %mul3A_369 = arith.mulf %get3A_364, %get3A_368 : vector<16xf32>
    %swap3A_370 = arith.constant 1 : i32
    %swap3A_371 = arith.index_cast %swap3A_370 : i32 to index
    %swap3A_372 = arith.constant 112 : index
    %swap3A_373 = tpu.vector_load %arg11[%swap3A_371, %swap3A_372] {strides = array<i32>} : memref<4x128xf32, #tpu.memory_space<vmem>>, vector<16xf32>,
    tpu.vector_store %arg11[%swap3A_371, %swap3A_372], %mul3A_369 {strides = array<i32>} : memref<4x128xf32, #tpu.memory_space<vmem>>, vector<16xf32>,
    %get3A_374 = arith.constant 2 : i32
    %get3A_375 = arith.index_cast %get3A_374 : i32 to index
    %get3A_376 = arith.constant 0 : index
    %get3A_377 = tpu.vector_load %arg11[%get3A_375, %get3A_376] {strides = array<i32>} : memref<4x128xf32, #tpu.memory_space<vmem>>, vector<16xf32>,
    %get3A_378 = arith.constant 2 : i32
    %get3A_379 = arith.index_cast %get3A_378 : i32 to index
    %get3A_380 = arith.constant 0 : index
    %get3A_381 = tpu.vector_load %arg8[%get3A_379, %get3A_380] {strides = array<i32>} : memref<4x128xf32, #tpu.memory_space<vmem>>, vector<16xf32>,
    %mul3A_382 = arith.mulf %get3A_377, %get3A_381 : vector<16xf32>
    %swap3A_383 = arith.constant 2 : i32
    %swap3A_384 = arith.index_cast %swap3A_383 : i32 to index
    %swap3A_385 = arith.constant 0 : index
    %swap3A_386 = tpu.vector_load %arg11[%swap3A_384, %swap3A_385] {strides = array<i32>} : memref<4x128xf32, #tpu.memory_space<vmem>>, vector<16xf32>,
    tpu.vector_store %arg11[%swap3A_384, %swap3A_385], %mul3A_382 {strides = array<i32>} : memref<4x128xf32, #tpu.memory_space<vmem>>, vector<16xf32>,
    %get3A_387 = arith.constant 2 : i32
    %get3A_388 = arith.index_cast %get3A_387 : i32 to index
    %get3A_389 = arith.constant 16 : index
    %get3A_390 = tpu.vector_load %arg11[%get3A_388, %get3A_389] {strides = array<i32>} : memref<4x128xf32, #tpu.memory_space<vmem>>, vector<16xf32>,
    %get3A_391 = arith.constant 2 : i32
    %get3A_392 = arith.index_cast %get3A_391 : i32 to index
    %get3A_393 = arith.constant 16 : index
    %get3A_394 = tpu.vector_load %arg8[%get3A_392, %get3A_393] {strides = array<i32>} : memref<4x128xf32, #tpu.memory_space<vmem>>, vector<16xf32>,
    %mul3A_395 = arith.mulf %get3A_390, %get3A_394 : vector<16xf32>
    %swap3A_396 = arith.constant 2 : i32
    %swap3A_397 = arith.index_cast %swap3A_396 : i32 to index
    %swap3A_398 = arith.constant 16 : index
    %swap3A_399 = tpu.vector_load %arg11[%swap3A_397, %swap3A_398] {strides = array<i32>} : memref<4x128xf32, #tpu.memory_space<vmem>>, vector<16xf32>,
    tpu.vector_store %arg11[%swap3A_397, %swap3A_398], %mul3A_395 {strides = array<i32>} : memref<4x128xf32, #tpu.memory_space<vmem>>, vector<16xf32>,
    %get3A_400 = arith.constant 2 : i32
    %get3A_401 = arith.index_cast %get3A_400 : i32 to index
    %get3A_402 = arith.constant 32 : index
    %get3A_403 = tpu.vector_load %arg11[%get3A_401, %get3A_402] {strides = array<i32>} : memref<4x128xf32, #tpu.memory_space<vmem>>, vector<16xf32>,
    %get3A_404 = arith.constant 2 : i32
    %get3A_405 = arith.index_cast %get3A_404 : i32 to index
    %get3A_406 = arith.constant 32 : index
    %get3A_407 = tpu.vector_load %arg8[%get3A_405, %get3A_406] {strides = array<i32>} : memref<4x128xf32, #tpu.memory_space<vmem>>, vector<16xf32>,
    %mul3A_408 = arith.mulf %get3A_403, %get3A_407 : vector<16xf32>
    %swap3A_409 = arith.constant 2 : i32
    %swap3A_410 = arith.index_cast %swap3A_409 : i32 to index
    %swap3A_411 = arith.constant 32 : index
    %swap3A_412 = tpu.vector_load %arg11[%swap3A_410, %swap3A_411] {strides = array<i32>} : memref<4x128xf32, #tpu.memory_space<vmem>>, vector<16xf32>,
    tpu.vector_store %arg11[%swap3A_410, %swap3A_411], %mul3A_408 {strides = array<i32>} : memref<4x128xf32, #tpu.memory_space<vmem>>, vector<16xf32>,
    %get3A_413 = arith.constant 2 : i32
    %get3A_414 = arith.index_cast %get3A_413 : i32 to index
    %get3A_415 = arith.constant 48 : index
    %get3A_416 = tpu.vector_load %arg11[%get3A_414, %get3A_415] {strides = array<i32>} : memref<4x128xf32, #tpu.memory_space<vmem>>, vector<16xf32>,
    %get3A_417 = arith.constant 2 : i32
    %get3A_418 = arith.index_cast %get3A_417 : i32 to index
    %get3A_419 = arith.constant 48 : index
    %get3A_420 = tpu.vector_load %arg8[%get3A_418, %get3A_419] {strides = array<i32>} : memref<4x128xf32, #tpu.memory_space<vmem>>, vector<16xf32>,
    %mul3A_421 = arith.mulf %get3A_416, %get3A_420 : vector<16xf32>
    %swap3A_422 = arith.constant 2 : i32
    %swap3A_423 = arith.index_cast %swap3A_422 : i32 to index
    %swap3A_424 = arith.constant 48 : index
    %swap3A_425 = tpu.vector_load %arg11[%swap3A_423, %swap3A_424] {strides = array<i32>} : memref<4x128xf32, #tpu.memory_space<vmem>>, vector<16xf32>,
    tpu.vector_store %arg11[%swap3A_423, %swap3A_424], %mul3A_421 {strides = array<i32>} : memref<4x128xf32, #tpu.memory_space<vmem>>, vector<16xf32>,
    %get3A_426 = arith.constant 2 : i32
    %get3A_427 = arith.index_cast %get3A_426 : i32 to index
    %get3A_428 = arith.constant 64 : index
    %get3A_429 = tpu.vector_load %arg11[%get3A_427, %get3A_428] {strides = array<i32>} : memref<4x128xf32, #tpu.memory_space<vmem>>, vector<16xf32>,
    %get3A_430 = arith.constant 2 : i32
    %get3A_431 = arith.index_cast %get3A_430 : i32 to index
    %get3A_432 = arith.constant 64 : index
    %get3A_433 = tpu.vector_load %arg8[%get3A_431, %get3A_432] {strides = array<i32>} : memref<4x128xf32, #tpu.memory_space<vmem>>, vector<16xf32>,
    %mul3A_434 = arith.mulf %get3A_429, %get3A_433 : vector<16xf32>
    %swap3A_435 = arith.constant 2 : i32
    %swap3A_436 = arith.index_cast %swap3A_435 : i32 to index
    %swap3A_437 = arith.constant 64 : index
    %swap3A_438 = tpu.vector_load %arg11[%swap3A_436, %swap3A_437] {strides = array<i32>} : memref<4x128xf32, #tpu.memory_space<vmem>>, vector<16xf32>,
    tpu.vector_store %arg11[%swap3A_436, %swap3A_437], %mul3A_434 {strides = array<i32>} : memref<4x128xf32, #tpu.memory_space<vmem>>, vector<16xf32>,
    %get3A_439 = arith.constant 2 : i32
    %get3A_440 = arith.index_cast %get3A_439 : i32 to index
    %get3A_441 = arith.constant 80 : index
    %get3A_442 = tpu.vector_load %arg11[%get3A_440, %get3A_441] {strides = array<i32>} : memref<4x128xf32, #tpu.memory_space<vmem>>, vector<16xf32>,
    %get3A_443 = arith.constant 2 : i32
    %get3A_444 = arith.index_cast %get3A_443 : i32 to index
    %get3A_445 = arith.constant 80 : index
    %get3A_446 = tpu.vector_load %arg8[%get3A_444, %get3A_445] {strides = array<i32>} : memref<4x128xf32, #tpu.memory_space<vmem>>, vector<16xf32>,
    %mul3A_447 = arith.mulf %get3A_442, %get3A_446 : vector<16xf32>
    %swap3A_448 = arith.constant 2 : i32
    %swap3A_449 = arith.index_cast %swap3A_448 : i32 to index
    %swap3A_450 = arith.constant 80 : index
    %swap3A_451 = tpu.vector_load %arg11[%swap3A_449, %swap3A_450] {strides = array<i32>} : memref<4x128xf32, #tpu.memory_space<vmem>>, vector<16xf32>,
    tpu.vector_store %arg11[%swap3A_449, %swap3A_450], %mul3A_447 {strides = array<i32>} : memref<4x128xf32, #tpu.memory_space<vmem>>, vector<16xf32>,
    %get3A_452 = arith.constant 2 : i32
    %get3A_453 = arith.index_cast %get3A_452 : i32 to index
    %get3A_454 = arith.constant 96 : index
    %get3A_455 = tpu.vector_load %arg11[%get3A_453, %get3A_454] {strides = array<i32>} : memref<4x128xf32, #tpu.memory_space<vmem>>, vector<16xf32>,
    %get3A_456 = arith.constant 2 : i32
    %get3A_457 = arith.index_cast %get3A_456 : i32 to index
    %get3A_458 = arith.constant 96 : index
    %get3A_459 = tpu.vector_load %arg8[%get3A_457, %get3A_458] {strides = array<i32>} : memref<4x128xf32, #tpu.memory_space<vmem>>, vector<16xf32>,
    %mul3A_460 = arith.mulf %get3A_455, %get3A_459 : vector<16xf32>
    %swap3A_461 = arith.constant 2 : i32
    %swap3A_462 = arith.index_cast %swap3A_461 : i32 to index
    %swap3A_463 = arith.constant 96 : index
    %swap3A_464 = tpu.vector_load %arg11[%swap3A_462, %swap3A_463] {strides = array<i32>} : memref<4x128xf32, #tpu.memory_space<vmem>>, vector<16xf32>,
    tpu.vector_store %arg11[%swap3A_462, %swap3A_463], %mul3A_460 {strides = array<i32>} : memref<4x128xf32, #tpu.memory_space<vmem>>, vector<16xf32>,
    %get3A_465 = arith.constant 2 : i32
    %get3A_466 = arith.index_cast %get3A_465 : i32 to index
    %get3A_467 = arith.constant 112 : index
    %get3A_468 = tpu.vector_load %arg11[%get3A_466, %get3A_467] {strides = array<i32>} : memref<4x128xf32, #tpu.memory_space<vmem>>, vector<16xf32>,
    %get3A_469 = arith.constant 2 : i32
    %get3A_470 = arith.index_cast %get3A_469 : i32 to index
    %get3A_471 = arith.constant 112 : index
    %get3A_472 = tpu.vector_load %arg8[%get3A_470, %get3A_471] {strides = array<i32>} : memref<4x128xf32, #tpu.memory_space<vmem>>, vector<16xf32>,
    %mul3A_473 = arith.mulf %get3A_468, %get3A_472 : vector<16xf32>
    %swap3A_474 = arith.constant 2 : i32
    %swap3A_475 = arith.index_cast %swap3A_474 : i32 to index
    %swap3A_476 = arith.constant 112 : index
    %swap3A_477 = tpu.vector_load %arg11[%swap3A_475, %swap3A_476] {strides = array<i32>} : memref<4x128xf32, #tpu.memory_space<vmem>>, vector<16xf32>,
    tpu.vector_store %arg11[%swap3A_475, %swap3A_476], %mul3A_473 {strides = array<i32>} : memref<4x128xf32, #tpu.memory_space<vmem>>, vector<16xf32>,
    %get3A_478 = arith.constant 3 : i32
    %get3A_479 = arith.index_cast %get3A_478 : i32 to index
    %get3A_480 = arith.constant 0 : index
    %get3A_481 = tpu.vector_load %arg11[%get3A_479, %get3A_480] {strides = array<i32>} : memref<4x128xf32, #tpu.memory_space<vmem>>, vector<16xf32>,
    %get3A_482 = arith.constant 3 : i32
    %get3A_483 = arith.index_cast %get3A_482 : i32 to index
    %get3A_484 = arith.constant 0 : index
    %get3A_485 = tpu.vector_load %arg8[%get3A_483, %get3A_484] {strides = array<i32>} : memref<4x128xf32, #tpu.memory_space<vmem>>, vector<16xf32>,
    %mul3A_486 = arith.mulf %get3A_481, %get3A_485 : vector<16xf32>
    %swap3A_487 = arith.constant 3 : i32
    %swap3A_488 = arith.index_cast %swap3A_487 : i32 to index
    %swap3A_489 = arith.constant 0 : index
    %swap3A_490 = tpu.vector_load %arg11[%swap3A_488, %swap3A_489] {strides = array<i32>} : memref<4x128xf32, #tpu.memory_space<vmem>>, vector<16xf32>,
    tpu.vector_store %arg11[%swap3A_488, %swap3A_489], %mul3A_486 {strides = array<i32>} : memref<4x128xf32, #tpu.memory_space<vmem>>, vector<16xf32>,
    %get3A_491 = arith.constant 3 : i32
    %get3A_492 = arith.index_cast %get3A_491 : i32 to index
    %get3A_493 = arith.constant 16 : index
    %get3A_494 = tpu.vector_load %arg11[%get3A_492, %get3A_493] {strides = array<i32>} : memref<4x128xf32, #tpu.memory_space<vmem>>, vector<16xf32>,
    %get3A_495 = arith.constant 3 : i32
    %get3A_496 = arith.index_cast %get3A_495 : i32 to index
    %get3A_497 = arith.constant 16 : index
    %get3A_498 = tpu.vector_load %arg8[%get3A_496, %get3A_497] {strides = array<i32>} : memref<4x128xf32, #tpu.memory_space<vmem>>, vector<16xf32>,
    %mul3A_499 = arith.mulf %get3A_494, %get3A_498 : vector<16xf32>
    %swap3A_500 = arith.constant 3 : i32
    %swap3A_501 = arith.index_cast %swap3A_500 : i32 to index
    %swap3A_502 = arith.constant 16 : index
    %swap3A_503 = tpu.vector_load %arg11[%swap3A_501, %swap3A_502] {strides = array<i32>} : memref<4x128xf32, #tpu.memory_space<vmem>>, vector<16xf32>,
    tpu.vector_store %arg11[%swap3A_501, %swap3A_502], %mul3A_499 {strides = array<i32>} : memref<4x128xf32, #tpu.memory_space<vmem>>, vector<16xf32>,
    %get3A_504 = arith.constant 3 : i32
    %get3A_505 = arith.index_cast %get3A_504 : i32 to index
    %get3A_506 = arith.constant 32 : index
    %get3A_507 = tpu.vector_load %arg11[%get3A_505, %get3A_506] {strides = array<i32>} : memref<4x128xf32, #tpu.memory_space<vmem>>, vector<16xf32>,
    %get3A_508 = arith.constant 3 : i32
    %get3A_509 = arith.index_cast %get3A_508 : i32 to index
    %get3A_510 = arith.constant 32 : index
    %get3A_511 = tpu.vector_load %arg8[%get3A_509, %get3A_510] {strides = array<i32>} : memref<4x128xf32, #tpu.memory_space<vmem>>, vector<16xf32>,
    %mul3A_512 = arith.mulf %get3A_507, %get3A_511 : vector<16xf32>
    %swap3A_513 = arith.constant 3 : i32
    %swap3A_514 = arith.index_cast %swap3A_513 : i32 to index
    %swap3A_515 = arith.constant 32 : index
    %swap3A_516 = tpu.vector_load %arg11[%swap3A_514, %swap3A_515] {strides = array<i32>} : memref<4x128xf32, #tpu.memory_space<vmem>>, vector<16xf32>,
    tpu.vector_store %arg11[%swap3A_514, %swap3A_515], %mul3A_512 {strides = array<i32>} : memref<4x128xf32, #tpu.memory_space<vmem>>, vector<16xf32>,
    %get3A_517 = arith.constant 3 : i32
    %get3A_518 = arith.index_cast %get3A_517 : i32 to index
    %get3A_519 = arith.constant 48 : index
    %get3A_520 = tpu.vector_load %arg11[%get3A_518, %get3A_519] {strides = array<i32>} : memref<4x128xf32, #tpu.memory_space<vmem>>, vector<16xf32>,
    %get3A_521 = arith.constant 3 : i32
    %get3A_522 = arith.index_cast %get3A_521 : i32 to index
    %get3A_523 = arith.constant 48 : index
    %get3A_524 = tpu.vector_load %arg8[%get3A_522, %get3A_523] {strides = array<i32>} : memref<4x128xf32, #tpu.memory_space<vmem>>, vector<16xf32>,
    %mul3A_525 = arith.mulf %get3A_520, %get3A_524 : vector<16xf32>
    %swap3A_526 = arith.constant 3 : i32
    %swap3A_527 = arith.index_cast %swap3A_526 : i32 to index
    %swap3A_528 = arith.constant 48 : index
    %swap3A_529 = tpu.vector_load %arg11[%swap3A_527, %swap3A_528] {strides = array<i32>} : memref<4x128xf32, #tpu.memory_space<vmem>>, vector<16xf32>,
    tpu.vector_store %arg11[%swap3A_527, %swap3A_528], %mul3A_525 {strides = array<i32>} : memref<4x128xf32, #tpu.memory_space<vmem>>, vector<16xf32>,
    %get3A_530 = arith.constant 3 : i32
    %get3A_531 = arith.index_cast %get3A_530 : i32 to index
    %get3A_532 = arith.constant 64 : index
    %get3A_533 = tpu.vector_load %arg11[%get3A_531, %get3A_532] {strides = array<i32>} : memref<4x128xf32, #tpu.memory_space<vmem>>, vector<16xf32>,
    %get3A_534 = arith.constant 3 : i32
    %get3A_535 = arith.index_cast %get3A_534 : i32 to index
    %get3A_536 = arith.constant 64 : index
    %get3A_537 = tpu.vector_load %arg8[%get3A_535, %get3A_536] {strides = array<i32>} : memref<4x128xf32, #tpu.memory_space<vmem>>, vector<16xf32>,
    %mul3A_538 = arith.mulf %get3A_533, %get3A_537 : vector<16xf32>
    %swap3A_539 = arith.constant 3 : i32
    %swap3A_540 = arith.index_cast %swap3A_539 : i32 to index
    %swap3A_541 = arith.constant 64 : index
    %swap3A_542 = tpu.vector_load %arg11[%swap3A_540, %swap3A_541] {strides = array<i32>} : memref<4x128xf32, #tpu.memory_space<vmem>>, vector<16xf32>,
    tpu.vector_store %arg11[%swap3A_540, %swap3A_541], %mul3A_538 {strides = array<i32>} : memref<4x128xf32, #tpu.memory_space<vmem>>, vector<16xf32>,
    %get3A_543 = arith.constant 3 : i32
    %get3A_544 = arith.index_cast %get3A_543 : i32 to index
    %get3A_545 = arith.constant 80 : index
    %get3A_546 = tpu.vector_load %arg11[%get3A_544, %get3A_545] {strides = array<i32>} : memref<4x128xf32, #tpu.memory_space<vmem>>, vector<16xf32>,
    %get3A_547 = arith.constant 3 : i32
    %get3A_548 = arith.index_cast %get3A_547 : i32 to index
    %get3A_549 = arith.constant 80 : index
    %get3A_550 = tpu.vector_load %arg8[%get3A_548, %get3A_549] {strides = array<i32>} : memref<4x128xf32, #tpu.memory_space<vmem>>, vector<16xf32>,
    %mul3A_551 = arith.mulf %get3A_546, %get3A_550 : vector<16xf32>
    %swap3A_552 = arith.constant 3 : i32
    %swap3A_553 = arith.index_cast %swap3A_552 : i32 to index
    %swap3A_554 = arith.constant 80 : index
    %swap3A_555 = tpu.vector_load %arg11[%swap3A_553, %swap3A_554] {strides = array<i32>} : memref<4x128xf32, #tpu.memory_space<vmem>>, vector<16xf32>,
    tpu.vector_store %arg11[%swap3A_553, %swap3A_554], %mul3A_551 {strides = array<i32>} : memref<4x128xf32, #tpu.memory_space<vmem>>, vector<16xf32>,
    %get3A_556 = arith.constant 3 : i32
    %get3A_557 = arith.index_cast %get3A_556 : i32 to index
    %get3A_558 = arith.constant 96 : index
    %get3A_559 = tpu.vector_load %arg11[%get3A_557, %get3A_558] {strides = array<i32>} : memref<4x128xf32, #tpu.memory_space<vmem>>, vector<16xf32>,
    %get3A_560 = arith.constant 3 : i32
    %get3A_561 = arith.index_cast %get3A_560 : i32 to index
    %get3A_562 = arith.constant 96 : index
    %get3A_563 = tpu.vector_load %arg8[%get3A_561, %get3A_562] {strides = array<i32>} : memref<4x128xf32, #tpu.memory_space<vmem>>, vector<16xf32>,
    %mul3A_564 = arith.mulf %get3A_559, %get3A_563 : vector<16xf32>
    %swap3A_565 = arith.constant 3 : i32
    %swap3A_566 = arith.index_cast %swap3A_565 : i32 to index
    %swap3A_567 = arith.constant 96 : index
    %swap3A_568 = tpu.vector_load %arg11[%swap3A_566, %swap3A_567] {strides = array<i32>} : memref<4x128xf32, #tpu.memory_space<vmem>>, vector<16xf32>,
    tpu.vector_store %arg11[%swap3A_566, %swap3A_567], %mul3A_564 {strides = array<i32>} : memref<4x128xf32, #tpu.memory_space<vmem>>, vector<16xf32>,
    %get3A_569 = arith.constant 3 : i32
    %get3A_570 = arith.index_cast %get3A_569 : i32 to index
    %get3A_571 = arith.constant 112 : index
    %get3A_572 = tpu.vector_load %arg11[%get3A_570, %get3A_571] {strides = array<i32>} : memref<4x128xf32, #tpu.memory_space<vmem>>, vector<16xf32>,
    %get3A_573 = arith.constant 3 : i32
    %get3A_574 = arith.index_cast %get3A_573 : i32 to index
    %get3A_575 = arith.constant 112 : index
    %get3A_576 = tpu.vector_load %arg8[%get3A_574, %get3A_575] {strides = array<i32>} : memref<4x128xf32, #tpu.memory_space<vmem>>, vector<16xf32>,
    %mul3A_577 = arith.mulf %get3A_572, %get3A_576 : vector<16xf32>
    %swap3A_578 = arith.constant 3 : i32
    %swap3A_579 = arith.index_cast %swap3A_578 : i32 to index
    %swap3A_580 = arith.constant 112 : index
    %swap3A_581 = tpu.vector_load %arg11[%swap3A_579, %swap3A_580] {strides = array<i32>} : memref<4x128xf32, #tpu.memory_space<vmem>>, vector<16xf32>,
    tpu.vector_store %arg11[%swap3A_579, %swap3A_580], %mul3A_577 {strides = array<i32>} : memref<4x128xf32, #tpu.memory_space<vmem>>, vector<16xf32>,
    %barrier3A = arith.constant 0 : index
    tpu.barrier barrier_id(%barrier3A)
    %run_scoped3A = arith.constant 0 : i32
    %run_scoped3A_582 = arith.constant 0 : i32
    "tpu.region"() ({
      %run_scoped3A_592 = tpu.sem_alloc : memref<!tpu.dma_semaphore, #tpu.memory_space<semaphore_mem>>
      %dma_start3A_593 = arith.constant 0 : i32
      %dma_start3A_594 = tpu.memref_slice %arg11[%run_scoped3A, %dma_start3A_593] : memref<4x128xf32, #tpu.memory_space<vmem>> -> memref<1x128xf32, #tpu.memory_space<vmem>>
      %dma_start3A_595 = tpu.memref_squeeze %dma_start3A_594 : memref<1x128xf32, #tpu.memory_space<vmem>> -> memref<128xf32, #tpu.memory_space<vmem>>
      %dma_start3A_596 = arith.constant 0 : i32
      %dma_start3A_597 = tpu.memref_slice %arg10[%run_scoped3A_582, %dma_start3A_596] : memref<4x128xi32, #tpu.memory_space<vmem>> -> memref<1x128xi32, #tpu.memory_space<vmem>>
      %dma_start3A_598 = tpu.memref_squeeze %dma_start3A_597 : memref<1x128xi32, #tpu.memory_space<vmem>> -> memref<128xi32, #tpu.memory_space<vmem>>
      %dma_start3A_599 = arith.constant 0 : i32
      %dma_start3A_600 = tpu.memref_slice %arg12[%dma_start3A_599] : memref<32768xf32, #tpu.memory_space<vmem_shared>> -> memref<32768xf32, #tpu.memory_space<vmem_shared>>
      tpu.enqueue_indirect_dma source(%dma_start3A_595 : memref<128xf32, #tpu.memory_space<vmem>>) target(%dma_start3A_600 : memref<32768xf32, #tpu.memory_space<vmem_shared>>) offsets(%dma_start3A_598 : memref<128xi32, #tpu.memory_space<vmem>>) semaphore(%run_scoped3A_592 : memref<!tpu.dma_semaphore, #tpu.memory_space<semaphore_mem>>) {add = true}
      %dma_wait3A_601 = arith.constant 0 : i32
      %dma_wait3A_602 = tpu.memref_slice %arg11[%run_scoped3A, %dma_wait3A_601] : memref<4x128xf32, #tpu.memory_space<vmem>> -> memref<1x128xf32, #tpu.memory_space<vmem>>
      %dma_wait3A_603 = tpu.memref_squeeze %dma_wait3A_602 : memref<1x128xf32, #tpu.memory_space<vmem>> -> memref<128xf32, #tpu.memory_space<vmem>>
      %dma_wait3A_604 = arith.constant 0 : i32
      %dma_wait3A_605 = tpu.memref_slice %arg10[%run_scoped3A_582, %dma_wait3A_604] : memref<4x128xi32, #tpu.memory_space<vmem>> -> memref<1x128xi32, #tpu.memory_space<vmem>>
      %dma_wait3A_606 = tpu.memref_squeeze %dma_wait3A_605 : memref<1x128xi32, #tpu.memory_space<vmem>> -> memref<128xi32, #tpu.memory_space<vmem>>
      %dma_wait3A_607 = arith.constant 0 : i32
      %dma_wait3A_608 = tpu.memref_slice %arg12[%dma_wait3A_607] : memref<32768xf32, #tpu.memory_space<vmem_shared>> -> memref<32768xf32, #tpu.memory_space<vmem_shared>>
      tpu.wait_indirect_dma semaphore(%run_scoped3A_592 : memref<!tpu.dma_semaphore, #tpu.memory_space<semaphore_mem>>) src(%dma_wait3A_603 : memref<128xf32, #tpu.memory_space<vmem>>) dst(%dma_wait3A_608 : memref<32768xf32, #tpu.memory_space<vmem_shared>>)
      tpu.yield
    }) : () -> ()
    %run_scoped3A_583 = arith.constant 1 : i32
    %run_scoped3A_584 = arith.constant 1 : i32
    "tpu.region"() ({
      %run_scoped3A_592 = tpu.sem_alloc : memref<!tpu.dma_semaphore, #tpu.memory_space<semaphore_mem>>
      %dma_start3A_593 = arith.constant 0 : i32
      %dma_start3A_594 = tpu.memref_slice %arg11[%run_scoped3A_583, %dma_start3A_593] : memref<4x128xf32, #tpu.memory_space<vmem>> -> memref<1x128xf32, #tpu.memory_space<vmem>>
      %dma_start3A_595 = tpu.memref_squeeze %dma_start3A_594 : memref<1x128xf32, #tpu.memory_space<vmem>> -> memref<128xf32, #tpu.memory_space<vmem>>
      %dma_start3A_596 = arith.constant 0 : i32
      %dma_start3A_597 = tpu.memref_slice %arg10[%run_scoped3A_584, %dma_start3A_596] : memref<4x128xi32, #tpu.memory_space<vmem>> -> memref<1x128xi32, #tpu.memory_space<vmem>>
      %dma_start3A_598 = tpu.memref_squeeze %dma_start3A_597 : memref<1x128xi32, #tpu.memory_space<vmem>> -> memref<128xi32, #tpu.memory_space<vmem>>
      %dma_start3A_599 = arith.constant 0 : i32
      %dma_start3A_600 = tpu.memref_slice %arg12[%dma_start3A_599] : memref<32768xf32, #tpu.memory_space<vmem_shared>> -> memref<32768xf32, #tpu.memory_space<vmem_shared>>
      tpu.enqueue_indirect_dma source(%dma_start3A_595 : memref<128xf32, #tpu.memory_space<vmem>>) target(%dma_start3A_600 : memref<32768xf32, #tpu.memory_space<vmem_shared>>) offsets(%dma_start3A_598 : memref<128xi32, #tpu.memory_space<vmem>>) semaphore(%run_scoped3A_592 : memref<!tpu.dma_semaphore, #tpu.memory_space<semaphore_mem>>) {add = true}
      %dma_wait3A_601 = arith.constant 0 : i32
      %dma_wait3A_602 = tpu.memref_slice %arg11[%run_scoped3A_583, %dma_wait3A_601] : memref<4x128xf32, #tpu.memory_space<vmem>> -> memref<1x128xf32, #tpu.memory_space<vmem>>
      %dma_wait3A_603 = tpu.memref_squeeze %dma_wait3A_602 : memref<1x128xf32, #tpu.memory_space<vmem>> -> memref<128xf32, #tpu.memory_space<vmem>>
      %dma_wait3A_604 = arith.constant 0 : i32
      %dma_wait3A_605 = tpu.memref_slice %arg10[%run_scoped3A_584, %dma_wait3A_604] : memref<4x128xi32, #tpu.memory_space<vmem>> -> memref<1x128xi32, #tpu.memory_space<vmem>>
      %dma_wait3A_606 = tpu.memref_squeeze %dma_wait3A_605 : memref<1x128xi32, #tpu.memory_space<vmem>> -> memref<128xi32, #tpu.memory_space<vmem>>
      %dma_wait3A_607 = arith.constant 0 : i32
      %dma_wait3A_608 = tpu.memref_slice %arg12[%dma_wait3A_607] : memref<32768xf32, #tpu.memory_space<vmem_shared>> -> memref<32768xf32, #tpu.memory_space<vmem_shared>>
      tpu.wait_indirect_dma semaphore(%run_scoped3A_592 : memref<!tpu.dma_semaphore, #tpu.memory_space<semaphore_mem>>) src(%dma_wait3A_603 : memref<128xf32, #tpu.memory_space<vmem>>) dst(%dma_wait3A_608 : memref<32768xf32, #tpu.memory_space<vmem_shared>>)
      tpu.yield
    }) : () -> ()
    %run_scoped3A_585 = arith.constant 2 : i32
    %run_scoped3A_586 = arith.constant 2 : i32
    "tpu.region"() ({
      %run_scoped3A_592 = tpu.sem_alloc : memref<!tpu.dma_semaphore, #tpu.memory_space<semaphore_mem>>
      %dma_start3A_593 = arith.constant 0 : i32
      %dma_start3A_594 = tpu.memref_slice %arg11[%run_scoped3A_585, %dma_start3A_593] : memref<4x128xf32, #tpu.memory_space<vmem>> -> memref<1x128xf32, #tpu.memory_space<vmem>>
      %dma_start3A_595 = tpu.memref_squeeze %dma_start3A_594 : memref<1x128xf32, #tpu.memory_space<vmem>> -> memref<128xf32, #tpu.memory_space<vmem>>
      %dma_start3A_596 = arith.constant 0 : i32
      %dma_start3A_597 = tpu.memref_slice %arg10[%run_scoped3A_586, %dma_start3A_596] : memref<4x128xi32, #tpu.memory_space<vmem>> -> memref<1x128xi32, #tpu.memory_space<vmem>>
      %dma_start3A_598 = tpu.memref_squeeze %dma_start3A_597 : memref<1x128xi32, #tpu.memory_space<vmem>> -> memref<128xi32, #tpu.memory_space<vmem>>
      %dma_start3A_599 = arith.constant 0 : i32
      %dma_start3A_600 = tpu.memref_slice %arg12[%dma_start3A_599] : memref<32768xf32, #tpu.memory_space<vmem_shared>> -> memref<32768xf32, #tpu.memory_space<vmem_shared>>
      tpu.enqueue_indirect_dma source(%dma_start3A_595 : memref<128xf32, #tpu.memory_space<vmem>>) target(%dma_start3A_600 : memref<32768xf32, #tpu.memory_space<vmem_shared>>) offsets(%dma_start3A_598 : memref<128xi32, #tpu.memory_space<vmem>>) semaphore(%run_scoped3A_592 : memref<!tpu.dma_semaphore, #tpu.memory_space<semaphore_mem>>) {add = true}
      %dma_wait3A_601 = arith.constant 0 : i32
      %dma_wait3A_602 = tpu.memref_slice %arg11[%run_scoped3A_585, %dma_wait3A_601] : memref<4x128xf32, #tpu.memory_space<vmem>> -> memref<1x128xf32, #tpu.memory_space<vmem>>
      %dma_wait3A_603 = tpu.memref_squeeze %dma_wait3A_602 : memref<1x128xf32, #tpu.memory_space<vmem>> -> memref<128xf32, #tpu.memory_space<vmem>>
      %dma_wait3A_604 = arith.constant 0 : i32
      %dma_wait3A_605 = tpu.memref_slice %arg10[%run_scoped3A_586, %dma_wait3A_604] : memref<4x128xi32, #tpu.memory_space<vmem>> -> memref<1x128xi32, #tpu.memory_space<vmem>>
      %dma_wait3A_606 = tpu.memref_squeeze %dma_wait3A_605 : memref<1x128xi32, #tpu.memory_space<vmem>> -> memref<128xi32, #tpu.memory_space<vmem>>
      %dma_wait3A_607 = arith.constant 0 : i32
      %dma_wait3A_608 = tpu.memref_slice %arg12[%dma_wait3A_607] : memref<32768xf32, #tpu.memory_space<vmem_shared>> -> memref<32768xf32, #tpu.memory_space<vmem_shared>>
      tpu.wait_indirect_dma semaphore(%run_scoped3A_592 : memref<!tpu.dma_semaphore, #tpu.memory_space<semaphore_mem>>) src(%dma_wait3A_603 : memref<128xf32, #tpu.memory_space<vmem>>) dst(%dma_wait3A_608 : memref<32768xf32, #tpu.memory_space<vmem_shared>>)
      tpu.yield
    }) : () -> ()
    %run_scoped3A_587 = arith.constant 3 : i32
    %run_scoped3A_588 = arith.constant 3 : i32
    "tpu.region"() ({
      %run_scoped3A_592 = tpu.sem_alloc : memref<!tpu.dma_semaphore, #tpu.memory_space<semaphore_mem>>
      %dma_start3A_593 = arith.constant 0 : i32
      %dma_start3A_594 = tpu.memref_slice %arg11[%run_scoped3A_587, %dma_start3A_593] : memref<4x128xf32, #tpu.memory_space<vmem>> -> memref<1x128xf32, #tpu.memory_space<vmem>>
      %dma_start3A_595 = tpu.memref_squeeze %dma_start3A_594 : memref<1x128xf32, #tpu.memory_space<vmem>> -> memref<128xf32, #tpu.memory_space<vmem>>
      %dma_start3A_596 = arith.constant 0 : i32
      %dma_start3A_597 = tpu.memref_slice %arg10[%run_scoped3A_588, %dma_start3A_596] : memref<4x128xi32, #tpu.memory_space<vmem>> -> memref<1x128xi32, #tpu.memory_space<vmem>>
      %dma_start3A_598 = tpu.memref_squeeze %dma_start3A_597 : memref<1x128xi32, #tpu.memory_space<vmem>> -> memref<128xi32, #tpu.memory_space<vmem>>
      %dma_start3A_599 = arith.constant 0 : i32
      %dma_start3A_600 = tpu.memref_slice %arg12[%dma_start3A_599] : memref<32768xf32, #tpu.memory_space<vmem_shared>> -> memref<32768xf32, #tpu.memory_space<vmem_shared>>
      tpu.enqueue_indirect_dma source(%dma_start3A_595 : memref<128xf32, #tpu.memory_space<vmem>>) target(%dma_start3A_600 : memref<32768xf32, #tpu.memory_space<vmem_shared>>) offsets(%dma_start3A_598 : memref<128xi32, #tpu.memory_space<vmem>>) semaphore(%run_scoped3A_592 : memref<!tpu.dma_semaphore, #tpu.memory_space<semaphore_mem>>) {add = true}
      %dma_wait3A_601 = arith.constant 0 : i32
      %dma_wait3A_602 = tpu.memref_slice %arg11[%run_scoped3A_587, %dma_wait3A_601] : memref<4x128xf32, #tpu.memory_space<vmem>> -> memref<1x128xf32, #tpu.memory_space<vmem>>
      %dma_wait3A_603 = tpu.memref_squeeze %dma_wait3A_602 : memref<1x128xf32, #tpu.memory_space<vmem>> -> memref<128xf32, #tpu.memory_space<vmem>>
      %dma_wait3A_604 = arith.constant 0 : i32
      %dma_wait3A_605 = tpu.memref_slice %arg10[%run_scoped3A_588, %dma_wait3A_604] : memref<4x128xi32, #tpu.memory_space<vmem>> -> memref<1x128xi32, #tpu.memory_space<vmem>>
      %dma_wait3A_606 = tpu.memref_squeeze %dma_wait3A_605 : memref<1x128xi32, #tpu.memory_space<vmem>> -> memref<128xi32, #tpu.memory_space<vmem>>
      %dma_wait3A_607 = arith.constant 0 : i32
      %dma_wait3A_608 = tpu.memref_slice %arg12[%dma_wait3A_607] : memref<32768xf32, #tpu.memory_space<vmem_shared>> -> memref<32768xf32, #tpu.memory_space<vmem_shared>>
      tpu.wait_indirect_dma semaphore(%run_scoped3A_592 : memref<!tpu.dma_semaphore, #tpu.memory_space<semaphore_mem>>) src(%dma_wait3A_603 : memref<128xf32, #tpu.memory_space<vmem>>) dst(%dma_wait3A_608 : memref<32768xf32, #tpu.memory_space<vmem_shared>>)
      tpu.yield
    }) : () -> ()
    %barrier3A_589 = arith.constant 0 : index
    tpu.barrier barrier_id(%barrier3A_589)
    %mul3A_590 = arith.constant 2048 : i32
    %mul3A_591 = arith.muli %select_n3A_28, %mul3A_590 : i32
    "tpu.region"() ({
      %run_scoped3A_592 = tpu.sem_alloc : memref<!tpu.dma_semaphore, #tpu.memory_space<semaphore_mem>>
      %dma_start3A_593 = tpu.memref_slice %arg7[%add3A_30, %mul3A_591] : memref<4x16384xf32, #tpu.memory_space<hbm>> -> memref<1x2048xf32, #tpu.memory_space<hbm>>
      %dma_start3A_594 = tpu.memref_squeeze %dma_start3A_593 : memref<1x2048xf32, #tpu.memory_space<hbm>> -> memref<2048xf32, #tpu.memory_space<hbm>>
      %dma_start3A_595 = tpu.memref_slice %arg12[%add3A_35] : memref<32768xf32, #tpu.memory_space<vmem_shared>> -> memref<2048xf32, #tpu.memory_space<vmem_shared>>
      tpu.enqueue_dma source(%dma_start3A_595 : memref<2048xf32, #tpu.memory_space<vmem_shared>>) target(%dma_start3A_594 : memref<2048xf32, #tpu.memory_space<hbm>>) target_semaphore(%run_scoped3A_592 : memref<!tpu.dma_semaphore, #tpu.memory_space<semaphore_mem>>)
      %dma_wait3A_596 = tpu.memref_slice %arg7[%add3A_30, %mul3A_591] : memref<4x16384xf32, #tpu.memory_space<hbm>> -> memref<1x2048xf32, #tpu.memory_space<hbm>>
      %dma_wait3A_597 = tpu.memref_squeeze %dma_wait3A_596 : memref<1x2048xf32, #tpu.memory_space<hbm>> -> memref<2048xf32, #tpu.memory_space<hbm>>
      %dma_wait3A_598 = tpu.memref_slice %arg12[%add3A_35] : memref<32768xf32, #tpu.memory_space<vmem_shared>> -> memref<2048xf32, #tpu.memory_space<vmem_shared>>
      tpu.wait_dma2 semaphore(%run_scoped3A_592 : memref<!tpu.dma_semaphore, #tpu.memory_space<semaphore_mem>>) src(%dma_wait3A_598 : memref<2048xf32, #tpu.memory_space<vmem_shared>>) dst(%dma_wait3A_597 : memref<2048xf32, #tpu.memory_space<hbm>>)
      tpu.yield
    }) : () -> ()
    return
  }
}

module attributes {stable_mosaic.version = 14 : i64} {
  func.func @_weights_body(%arg0: i32, %arg1: memref<1x4x4096xf32, #tpu.memory_space<vmem>>, %arg2: memref<1x256x4xf32, #tpu.memory_space<vmem>>, %arg3: memref<1x256x4xf32, #tpu.memory_space<vmem>>, %arg4: memref<1x256x1xf32, #tpu.memory_space<vmem>>, %arg5: memref<1x1x4096xf32, #tpu.memory_space<vmem>>) attributes {dimension_semantics = [#tpu.dimension_semantics<arbitrary>], iteration_bounds = array<i64: 4>, scalar_prefetch = 0 : i64, scratch_operands = 0 : i64, tpu.core_type = #tpu.core_type<tc>, window_params = [{transform_indices = @transform_0, window_bounds = array<i64: 1, 4, 4096>}, {transform_indices = @transform_1, window_bounds = array<i64: 1, 256, 4>}, {transform_indices = @transform_2, window_bounds = array<i64: 1, 256, 4>}, {transform_indices = @transform_3, window_bounds = array<i64: 1, 256, 1>}, {transform_indices = @transform_4, window_bounds = array<i64: 1, 1, 4096>}]} {
    %get3A = arith.constant 0 : index
    %get3A_0 = arith.constant 0 : index
    %get3A_1 = arith.constant 0 : index
    %get3A_2 = vector.load %arg1[%get3A, %get3A_0, %get3A_1] : memref<1x4x4096xf32, #tpu.memory_space<vmem>>, vector<1x4x4096xf32>
    %get3A_3 = vector.shape_cast %get3A_2 : vector<1x4x4096xf32> to vector<4x4096xf32>
    %get3A_4 = arith.constant 0 : index
    %get3A_5 = arith.constant 0 : index
    %get3A_6 = arith.constant 0 : index
    %get3A_7 = vector.load %arg2[%get3A_4, %get3A_5, %get3A_6] : memref<1x256x4xf32, #tpu.memory_space<vmem>>, vector<1x256x4xf32>
    %get3A_8 = vector.shape_cast %get3A_7 : vector<1x256x4xf32> to vector<256x4xf32>
    %get3A_9 = arith.constant 0 : index
    %get3A_10 = arith.constant 0 : index
    %get3A_11 = arith.constant 0 : index
    %get3A_12 = vector.load %arg3[%get3A_9, %get3A_10, %get3A_11] : memref<1x256x4xf32, #tpu.memory_space<vmem>>, vector<1x256x4xf32>
    %get3A_13 = vector.shape_cast %get3A_12 : vector<1x256x4xf32> to vector<256x4xf32>
    %add3A = arith.constant 9.99999997E-7 : f32
    %add3A_14 = vector.broadcast %add3A : f32 to vector<256x4xf32>
    %add3A_15 = arith.addf %add3A_14, %get3A_13 : vector<256x4xf32>
    %div3A = arith.constant 0.72134751 : f32
    %div3A_16 = vector.broadcast %div3A : f32 to vector<256x4xf32>
    %div3A_17 = arith.divf %div3A_16, %add3A_15 : vector<256x4xf32>
    %sqrt3A = math.sqrt %div3A_17 : vector<256x4xf32>
    %mul3A = arith.mulf %get3A_8, %sqrt3A : vector<256x4xf32>
    %slice3A = vector.extract_strided_slice %mul3A {offsets = [0, 0], sizes = [256, 1], strides = [1, 1]} : vector<256x4xf32> to vector<256x1xf32>
    %slice3A_18 = vector.extract_strided_slice %sqrt3A {offsets = [0, 0], sizes = [256, 1], strides = [1, 1]} : vector<256x4xf32> to vector<256x1xf32>
    %slice3A_19 = vector.extract_strided_slice %get3A_3 {offsets = [0, 0], sizes = [1, 4096], strides = [1, 1]} : vector<4x4096xf32> to vector<1x4096xf32>
    %mul3A_20 = vector.broadcast %slice3A_18 : vector<256x1xf32> to vector<256x4096xf32>
    %mul3A_21 = vector.broadcast %slice3A_19 : vector<1x4096xf32> to vector<256x4096xf32>
    %mul3A_22 = arith.mulf %mul3A_20, %mul3A_21 : vector<256x4096xf32>
    %sub3A = vector.broadcast %slice3A : vector<256x1xf32> to vector<256x4096xf32>
    %sub3A_23 = arith.subf %sub3A, %mul3A_22 : vector<256x4096xf32>
    %mul3A_24 = arith.mulf %sub3A_23, %sub3A_23 : vector<256x4096xf32>
    %slice3A_25 = vector.extract_strided_slice %mul3A {offsets = [0, 1], sizes = [256, 1], strides = [1, 1]} : vector<256x4xf32> to vector<256x1xf32>
    %slice3A_26 = vector.extract_strided_slice %sqrt3A {offsets = [0, 1], sizes = [256, 1], strides = [1, 1]} : vector<256x4xf32> to vector<256x1xf32>
    %slice3A_27 = vector.extract_strided_slice %get3A_3 {offsets = [1, 0], sizes = [1, 4096], strides = [1, 1]} : vector<4x4096xf32> to vector<1x4096xf32>
    %mul3A_28 = vector.broadcast %slice3A_26 : vector<256x1xf32> to vector<256x4096xf32>
    %mul3A_29 = vector.broadcast %slice3A_27 : vector<1x4096xf32> to vector<256x4096xf32>
    %mul3A_30 = arith.mulf %mul3A_28, %mul3A_29 : vector<256x4096xf32>
    %sub3A_31 = vector.broadcast %slice3A_25 : vector<256x1xf32> to vector<256x4096xf32>
    %sub3A_32 = arith.subf %sub3A_31, %mul3A_30 : vector<256x4096xf32>
    %mul3A_33 = arith.mulf %sub3A_32, %sub3A_32 : vector<256x4096xf32>
    %add3A_34 = arith.addf %mul3A_24, %mul3A_33 : vector<256x4096xf32>
    %slice3A_35 = vector.extract_strided_slice %mul3A {offsets = [0, 2], sizes = [256, 1], strides = [1, 1]} : vector<256x4xf32> to vector<256x1xf32>
    %slice3A_36 = vector.extract_strided_slice %sqrt3A {offsets = [0, 2], sizes = [256, 1], strides = [1, 1]} : vector<256x4xf32> to vector<256x1xf32>
    %slice3A_37 = vector.extract_strided_slice %get3A_3 {offsets = [2, 0], sizes = [1, 4096], strides = [1, 1]} : vector<4x4096xf32> to vector<1x4096xf32>
    %mul3A_38 = vector.broadcast %slice3A_36 : vector<256x1xf32> to vector<256x4096xf32>
    %mul3A_39 = vector.broadcast %slice3A_37 : vector<1x4096xf32> to vector<256x4096xf32>
    %mul3A_40 = arith.mulf %mul3A_38, %mul3A_39 : vector<256x4096xf32>
    %sub3A_41 = vector.broadcast %slice3A_35 : vector<256x1xf32> to vector<256x4096xf32>
    %sub3A_42 = arith.subf %sub3A_41, %mul3A_40 : vector<256x4096xf32>
    %mul3A_43 = arith.mulf %sub3A_42, %sub3A_42 : vector<256x4096xf32>
    %add3A_44 = arith.addf %add3A_34, %mul3A_43 : vector<256x4096xf32>
    %slice3A_45 = vector.extract_strided_slice %mul3A {offsets = [0, 3], sizes = [256, 1], strides = [1, 1]} : vector<256x4xf32> to vector<256x1xf32>
    %slice3A_46 = vector.extract_strided_slice %sqrt3A {offsets = [0, 3], sizes = [256, 1], strides = [1, 1]} : vector<256x4xf32> to vector<256x1xf32>
    %slice3A_47 = vector.extract_strided_slice %get3A_3 {offsets = [3, 0], sizes = [1, 4096], strides = [1, 1]} : vector<4x4096xf32> to vector<1x4096xf32>
    %mul3A_48 = vector.broadcast %slice3A_46 : vector<256x1xf32> to vector<256x4096xf32>
    %mul3A_49 = vector.broadcast %slice3A_47 : vector<1x4096xf32> to vector<256x4096xf32>
    %mul3A_50 = arith.mulf %mul3A_48, %mul3A_49 : vector<256x4096xf32>
    %sub3A_51 = vector.broadcast %slice3A_45 : vector<256x1xf32> to vector<256x4096xf32>
    %sub3A_52 = arith.subf %sub3A_51, %mul3A_50 : vector<256x4096xf32>
    %mul3A_53 = arith.mulf %sub3A_52, %sub3A_52 : vector<256x4096xf32>
    %add3A_54 = arith.addf %add3A_44, %mul3A_53 : vector<256x4096xf32>
    %neg3A = arith.constant 0.000000e+00 : f32
    %neg3A_55 = vector.broadcast %neg3A : f32 to vector<256x4096xf32>
    %neg3A_56 = arith.subf %neg3A_55, %add3A_54 : vector<256x4096xf32>
    %exp23A = math.exp2 %neg3A_56 : vector<256x4096xf32>
    %reduce_sum3A = arith.constant dense<0.000000e+00> : vector<256xf32>
    %reduce_sum3A_57 = vector.multi_reduction <add>, %exp23A, %reduce_sum3A [1] : vector<256x4096xf32> to vector<256xf32>
    %broadcast_in_dim3A = vector.shape_cast %reduce_sum3A_57 : vector<256xf32> to vector<256x1xf32>
    %get3A_58 = arith.constant 0 : index
    %get3A_59 = arith.constant 0 : index
    %get3A_60 = arith.constant 0 : index
    %get3A_61 = vector.load %arg4[%get3A_58, %get3A_59, %get3A_60] : memref<1x256x1xf32, #tpu.memory_space<vmem>>, vector<1x256x1xf32>
    %get3A_62 = vector.shape_cast %get3A_61 : vector<1x256x1xf32> to vector<256x1xf32>
    %add3A_63 = arith.constant 9.99999997E-7 : f32
    %add3A_64 = vector.broadcast %add3A_63 : f32 to vector<256x1xf32>
    %add3A_65 = arith.addf %broadcast_in_dim3A, %add3A_64 : vector<256x1xf32>
    %div3A_66 = arith.divf %get3A_62, %add3A_65 : vector<256x1xf32>
    %mul3A_67 = vector.broadcast %div3A_66 : vector<256x1xf32> to vector<256x4096xf32>
    %mul3A_68 = arith.mulf %exp23A, %mul3A_67 : vector<256x4096xf32>
    %reduce_sum3A_69 = arith.constant dense<0.000000e+00> : vector<4096xf32>
    %reduce_sum3A_70 = vector.multi_reduction <add>, %mul3A_68, %reduce_sum3A_69 [0] : vector<256x4096xf32> to vector<4096xf32>
    %broadcast_in_dim3A_71 = vector.shape_cast %reduce_sum3A_70 : vector<4096xf32> to vector<1x4096xf32>
    %swap3A = arith.constant 0 : index
    %swap3A_72 = arith.constant 0 : index
    %swap3A_73 = arith.constant 0 : index
    %swap3A_74 = vector.load %arg5[%swap3A, %swap3A_72, %swap3A_73] : memref<1x1x4096xf32, #tpu.memory_space<vmem>>, vector<1x1x4096xf32>
    %swap3A_75 = vector.shape_cast %swap3A_74 : vector<1x1x4096xf32> to vector<1x4096xf32>
    %swap3A_76 = vector.shape_cast %broadcast_in_dim3A_71 : vector<1x4096xf32> to vector<1x1x4096xf32>
    tpu.vector_store %arg5[%swap3A, %swap3A_72, %swap3A_73], %swap3A_76 {strides = array<i32>} : memref<1x1x4096xf32, #tpu.memory_space<vmem>>, vector<1x1x4096xf32>,
    return
  }
  func.func @transform_0(%arg0: i32) -> (i32, i32, i32) {
    %c0_i32 = arith.constant 0 : i32
    %c0_i32_0 = arith.constant 0 : i32
    %c0_i32_1 = arith.constant 0 : i32
    return %arg0, %c0_i32, %c0_i32_0 : i32, i32, i32
  }
  func.func @transform_1(%arg0: i32) -> (i32, i32, i32) {
    %c0_i32 = arith.constant 0 : i32
    %c0_i32_0 = arith.constant 0 : i32
    %c0_i32_1 = arith.constant 0 : i32
    return %arg0, %c0_i32, %c0_i32_0 : i32, i32, i32
  }
  func.func @transform_2(%arg0: i32) -> (i32, i32, i32) {
    %c0_i32 = arith.constant 0 : i32
    %c0_i32_0 = arith.constant 0 : i32
    %c0_i32_1 = arith.constant 0 : i32
    return %arg0, %c0_i32, %c0_i32_0 : i32, i32, i32
  }
  func.func @transform_3(%arg0: i32) -> (i32, i32, i32) {
    %c0_i32 = arith.constant 0 : i32
    %c0_i32_0 = arith.constant 0 : i32
    %c0_i32_1 = arith.constant 0 : i32
    return %arg0, %c0_i32, %c0_i32_0 : i32, i32, i32
  }
  func.func @transform_4(%arg0: i32) -> (i32, i32, i32) {
    %c0_i32 = arith.constant 0 : i32
    %c0_i32_0 = arith.constant 0 : i32
    %c0_i32_1 = arith.constant 0 : i32
    return %arg0, %c0_i32, %c0_i32_0 : i32, i32, i32
  }
}

</mosaic_0001>

<sc_bundles>
// kernel: kernel.4.cloned.1.call-start
scs
__scs_entry_jumppad:
0x0: {  	(pc) =	sbr.rel $0x88, $3  }
0x1: {  	(tag) =	ssettag $0x0;
	lr =	simm.s32 $0x1  }
0x2: {  	[smem:$0x3F9C] =	sst lr;
	_ =	strace $0xD0000000  }
0x3: {  	_ = 	snop  }
0x4: {  	_ = 	snop  }
0x5: {  	_ = 	snop  }
0x6: {  	_ = 	snop  }
0x7: {  	_ = 	snop  }
__scs_overlays_trampoline_lowered:
0x8: {  	[smem:$0x3FAB] =	sst s0  }
0x9: {  	[smem:$0x3FAC] =	sst s1  }
0xa: {  	[smem:$0x3FAD] =	sst s2  }
0xb: {  	[smem:$0x3FAE] =	sst s3  }
0xc: {  	[smem:$0x3FAF] =	sst s4  }
0xd: {  	[smem:$0x3FB0] =	sst s5  }
0xe: {  	[smem:$0x3FB1] =	sst s6  }
0xf: {  	[smem:$0x3FB2] =	sst s7  }
0x10: {  	[smem:$0x3FB3] =	sst s8  }
0x11: {  	[smem:$0x3FB4] =	sst s9;
	s0 =	simm.s32 @!p0 $0x0  }
0x12: {  	s1 =	sld [smem:$0x3F9A];
	s0 =	simm.s32 @p0 $0x1  }
0x13: {  	[smem:$0x3FB5] =	sst s0;
	s0 =	simm.s32 @!p1 $0x0  }
0x14: {  	s2 =	sld [smem:$0x3F99];
	s0 =	simm.s32 @p1 $0x1  }
0x15: {  	[smem:$0x3FB6] =	sst s0;
	s0 =	simm.s32 @!p2 $0x0  }
0x16: {  	s3 =	sld [smem:$0x3FDB];
	s0 =	simm.s32 @p2 $0x1  }
0x17: {  	s4 =	simm.s32 $0x1BF5;
	[smem:$0x3FB8] =	sst s0  }
0x18: {  	s0 =	sld [smem:$0x3F9B];
	_ =	swait.ge [sflag:s4], $0x0  }
0x19: {  	s7 =	sld [smem:$0x3F9C]  }
0x1a: {  	s8 =	sadd.s32 $0xFFFFE003, lr  }
0x1b: {  	s9 =	sadd.s32 $0xFFFFFEF7, lr;
	s5 =	simm.s32 $0xFFFFFFFF;
	p2 =	slt.u32 s8, $0xFFFFF086  }
0x1c: {  	p1 =	slt.u32 s9, $0xF7A;
	s5 =	simm.s32 @!p2 $0x0  }
0x1d: {  	s5 =	simm.s32 @p1 $0x1;
	p0 =	seq.s32 s7, s2  }
0x1e: {  	s7 =	smul.u32 @!p0 $0xF7A, s2;
	p2 =	seq.s32 @!p0 s5, $0x0  }
0x1f: {  	s9 =	smul.u32 $0xF7A, s1;
	s8 =	simm.s32 @!p0 $0x1BF5;
	p2 =	por !p2, p0  }
0x20: {  	[sflag:s8] =	ssyncset.s32 @!p0 $0xFFFFF086;
	s6 =	sadd.s32 @!p0 s3, s7;
	s7 =	simm.s32 @!p0 $0x108  }
0x21: {  	s3 =	sadd.s32 s3, s9;
	s6 =	sadd.s32 @!p0 $0x88, s6;
	s7 =	simm.s32 @p2 $0x1082  }
0x22: {  	[simem:s7], [sflag:s8] =	dma.local @!p0 [hbm:s6], $0xF7A  }
0x23: {  	s9 =	sor.u32 $0xD0000000, s2;
	s6 =	simm.s32 $0x108;
	_ =	swait.ge @!p0 [sflag:s8], $0x0  }
0x24: {  	s3 =	sadd.s32 $0x88, s3;
	s6 =	simm.s32 @!p1 $0x1082;
	[sflag:s4] =	ssyncset.s32 $0xFFFFF086  }
0x25: {  	[simem:s6], [sflag:s4] =	dma.local [hbm:s3], $0xF7A  }
0x26: {  	[smem:$0x3F9C] =	sst s1;
	(tag) =	ssettag s2;
	_ =	strace s9  }
0x27: {  	s1 =	sld [smem:$0x3FAC]  }
0x28: {  	s2 =	sld [smem:$0x3FAD]  }
0x29: {  	s4 =	sld [smem:$0x3FAF]  }
0x2a: {  	p0 =	seq.s32 s5, $0x0;
	s5 =	sld [smem:$0x3FB0]  }
0x2b: {  	s6 =	sld [smem:$0x3FB1]  }
0x2c: {  	s7 =	sld [smem:$0x3FB2]  }
0x2d: {  	s3 =	simm.s32 $0x108;
	s8 =	sld [smem:$0x3FB3]  }
0x2e: {  	s3 =	simm.s32 @!p0 $0x1082;
	s9 =	sld [smem:$0x3FB4]  }
0x2f: {  	lr =	sadd.s32 s0, s3;
	s0 =	sld [smem:$0x3FAB]  }
0x30: {  	s3 =	sld [smem:$0x3FAE]  }
0x31: {  	[smem:$0x3FB7] =	sst s10  }
0x32: {  	s10 =	sld [smem:$0x3FB5];
	_ =	sdelay $0x3  }
0x33: {  	p0 =	seq.s32 s10, $0x1;
	s10 =	sld [smem:$0x3FB7];
	_ =	sdelay $0x3  }
0x34: {  	[smem:$0x3FB7] =	sst s10  }
0x35: {  	s10 =	sld [smem:$0x3FB6];
	_ =	sdelay $0x3  }
0x36: {  	p1 =	seq.s32 s10, $0x1;
	s10 =	sld [smem:$0x3FB7];
	_ =	sdelay $0x3  }
0x37: {  	[smem:$0x3FB7] =	sst s10  }
0x38: {  	s10 =	sld [smem:$0x3FB8]  }
0x39: {  	_ = 	snop;
	(pc) =	sbr.ind lr, $3  }
0x3a: {  	_ = 	snop  }
0x3b: {  	_ = 	snop  }
0x3c: {  	p2 =	seq.s32 s10, $0x1;
	s10 =	sld [smem:$0x3FB7]  }
0x3d: {  	_ =	shalt  }
0x3e: {  	_ =	shalt  }
0x3f: {  	_ =	shalt  }
0x40: {  	_ =	shalt  }
0x41: {  	_ =	shalt  }
0x42: {  	_ =	shalt  }
0x43: {  	_ =	shalt  }
0x44: {  	_ =	shalt  }
0x45: {  	_ =	shalt  }
0x46: {  	_ =	shalt  }
0x47: {  	_ =	shalt  }
0x48: {  	_ =	shalt  }
0x49: {  	_ =	shalt  }
0x4a: {  	_ =	shalt  }
0x4b: {  	_ =	shalt  }
0x4c: {  	_ =	shalt  }
0x4d: {  	_ =	shalt  }
0x4e: {  	_ =	shalt  }
0x4f: {  	_ =	shalt  }
0x50: {  	_ =	shalt  }
0x51: {  	_ =	shalt  }
0x52: {  	_ =	shalt  }
0x53: {  	_ =	shalt  }
0x54: {  	_ =	shalt  }
0x55: {  	_ =	shalt  }
0x56: {  	_ =	shalt  }
0x57: {  	_ =	shalt  }
0x58: {  	_ =	shalt  }
0x59: {  	_ =	shalt  }
0x5a: {  	_ =	shalt  }
0x5b: {  	_ =	shalt  }
0x5c: {  	_ =	shalt  }
0x5d: {  	_ =	shalt  }
0x5e: {  	_ =	shalt  }
0x5f: {  	_ =	shalt  }
0x60: {  	_ =	shalt  }
0x61: {  	_ =	shalt  }
0x62: {  	_ =	shalt  }
0x63: {  	_ =	shalt  }
0x64: {  	_ =	shalt  }
0x65: {  	_ =	shalt  }
0x66: {  	_ =	shalt  }
0x67: {  	_ =	shalt  }
0x68: {  	_ =	shalt  }
0x69: {  	_ =	shalt  }
0x6a: {  	_ =	shalt  }
0x6b: {  	_ =	shalt  }
0x6c: {  	_ =	shalt  }
0x6d: {  	_ =	shalt  }
0x6e: {  	_ =	shalt  }
0x6f: {  	_ =	shalt  }
0x70: {  	_ =	shalt  }
0x71: {  	_ =	shalt  }
0x72: {  	_ =	shalt  }
0x73: {  	_ =	shalt  }
0x74: {  	_ =	shalt  }
0x75: {  	_ =	shalt  }
0x76: {  	_ =	shalt  }
0x77: {  	_ =	shalt  }
0x78: {  	_ =	shalt  }
0x79: {  	_ =	shalt  }
0x7a: {  	_ =	shalt  }
0x7b: {  	_ =	shalt  }
0x7c: {  	_ =	shalt  }
0x7d: {  	_ =	shalt  }
0x7e: {  	_ =	shalt  }
0x7f: {  	_ =	shalt  }
0x80: {  	_ =	shalt  }
0x81: {  	_ =	shalt  }
0x82: {  	_ =	shalt  }
0x83: {  	_ =	shalt  }
0x84: {  	_ =	shalt  }
0x85: {  	_ =	shalt  }
0x86: {  	_ =	shalt  }
0x87: {  	_ =	shalt  }
.Lfunc_end0:
.L_simem_size_0:
called_computation_lowered:
.L_overlay_start_0:
0x88: {  	s2 =	sld [smem:$0x3FD9]  }
0x89: {  	s3 =	sld [smem:$0x3FFE];
	_ =	sdelay $0x1  }
0x8a: {  	s1 =	srdreg.scid  }
0x8b: {  	s0 =	sand.u32 $0x1, s1  }
0x8c: {  	s17 =	sshll.u32 s0, $0xA;
	s2 =	sadd.s32 s3, s2  }
0x8d: {  	s2 =	sadd.s32 s2, s17  }
0x8e: {  	[smem:$0x3FC3] =	sst s2  }
0x8f: {  	_ = 	snop  }
0x90: {  	s2 =	sld [smem:$0x3FC9]  }
0x91: {  	s18 =	sld [smem:$0x3FD0];
	(tm) =	ssettm $0x1  }
0x92: {  	s4 =	sld [smem:$0x3FFB];
	_ =	sdelay $0x3  }
0x93: {  	_ =	strace s4  }
0x94: {  	s4 =	sld [smem:$0x3FFC];
	_ =	sdelay $0x3  }
0x95: {  	_ =	strace s4  }
0x96: {  	s4 =	sld [smem:$0x3FFD];
	_ =	sdelay $0x3  }
0x97: {  	_ =	strace s4  }
0x98: {  	_ =	strace $0x8FFFFFFF  }
0x99: {  	s19 =	sld [smem:$0x3FDB];
	_ =	sdelay $0x1  }
0x9a: {  	s5 =	simm.s32 $_scs_section_size  }
0x9b: {  	s6 =	simm.s32 $_size__tile_overlayer_lowered;
	s7 =	simm.s32 $_tile_overlayer_lowered  }
0x9c: {  	s22 =	simm.s32 $0x1BFF;
	s21 =	sshll.u32 s7, $0x1;
	s4 =	sadd.s32 s5, s19  }
0x9d: {  	s8 =	simm.s32 $0x0;
	s20 =	sshll.u32 s6, $0x1;
	s6 =	sadd.s32 s21, s4  }
0x9e: {  	[timem:s8], [sflag:s22] =	dma.local [hbm:s6], s20  }
0x9f: {  	_ =	swait.ge [sflag:s22], s20  }
0xa0: {  	s5 =	ssub.s32 $0x0, s20;
	[sflag:s22] =	ssyncset.done $0x0  }
0xa1: {  	[sflag:s22] =	ssyncadd.s32 s5;
	_ =	sdelay $0x1  }
0xa2: {  	s23 =	simm.s32 $0x1B8B  }
0xa3: {  	_ =	swait.ge [sflag:s23], $0x1  }
0xa4: {  	[sflag:s23] =	ssyncset.done $0x0  }
0xa5: {  	s25 =	simm.s32 $0x1B8E;
	s24 =	sld [smem:$0x3FFE];
	[sflag:s23] =	ssyncadd.s32 $0xFFFFFFFF  }
0xa6: {  	s26 =	simm.s32 $execute0_lowered;
	[smem:$0x3FD2] =	sst s25  }
0xa7: {  	s6 =	sshll.u32 s26, $0x1;
	_ =	strace $0x80000046;
	[dreg:$0x1] =	wrdreg $0xFFFFFFFF  }
0xa8: {  	s28 =	simm.s32 $_size_execute0_lowered;
	s4 =	sadd.s32 s4, s6;
	[dreg:$0x0] =	wrdreg $0x0  }
0xa9: {  	s6 =	sshll.u32 s28, $0x1;
	[dreg:$0x2] =	wrdreg s4  }
0xaa: {  	[dreg:$0x3] =	wrdreg s6  }
0xab: {  	[dreg:$0x4] =	wrdreg $0xC0  }
0xac: {  	_ =	task [dreg:s8], $0x5FFFF  }
0xad: {  	[dreg:$0x1] =	wrdreg $0xFFFFFFFF  }
0xae: {  	[dreg:$0x0] =	wrdreg $0x60  }
0xaf: {  	[dreg:$0x2] =	wrdreg s2  }
0xb0: {  	[dreg:$0x3] =	wrdreg s18  }
0xb1: {  	[dreg:$0x4] =	wrdreg s24  }
0xb2: {  	[dreg:$0x5] =	wrdreg $0x8000  }
0xb3: {  	[dreg:$0x6] =	wrdreg $0x9  }
0xb4: {  	_ =	task.clear_ibuf [dreg:s8], $0x7FFFF;
	_ =	strace $0x90000046  }
0xb5: {  	s29 =	simm.s32 $0x9;
	_ =	strace $0x80000048  }
0xb6: {  	_ =	swait.ge [sflag:s29], $0x1  }
0xb7: {  	[sflag:s29] =	ssyncadd.s32 $0xFFFFFFFF  }
0xb8: {  	_ =	strace $0x90000048  }
0xb9: {  	_ =	sfence  }
0xba: {  	s30 =	sld [smem:$0x0];
	_ =	sdelay $0x2  }
0xbb: {  	s31 =	sshll.u32 s1, $0xD;
	s1 =	sshrl.u32 s1, $0x2  }
0xbc: {  	s3 =	sand.u32 $0x4000, s31;
	s1 =	sadd.s32 s1, s30  }
0xbd: {  	s0 =	sor.u32 s3, s0;
	s1 =	sshll.u32 s1, $0x11  }
0xbe: {  	s0 =	sor.u32 s1, s0  }
0xbf: {  	s0 =	sadd.s32 $0x8F2B, s0  }
0xc0: {  	[sflag:s0] =	ssyncadd.remote.s32 $0x1  }
0xc1: {  	_ =	sfence.sel $0xFFFF  }
0xc2: {  	[dreg:$0x0] =	wrdreg $0xFFFFFFFF;
	(pc) =	sbr.abs _section_cstart, $3  }
0xc3: {  	[dreg:$0x1] =	wrdreg $0xFFFFFFFF  }
0xc4: {  	_ =	task.clear_ibuf [dreg:s8], $0x2FFFF;
	_ =	strace $0x9FFFFFFF  }
0xc5: {  	(tm) =	ssettm $0x7FFFFFFF  }
tec
execute0_lowered:
.L_overlay_start_1:
0x0: {  	(tag) =	ssettag $0x1  }
0x1: {  	s0 =	rddreg [dreg:$0x0]  }
0x2: {  	s6 =	rddreg [dreg:$0x1]  }
0x3: {  	s5 =	rddreg [dreg:$0x2];
	s1 =	srdreg.scid  }
0x4: {  	s3 =	rddreg [dreg:$0x3];
	s2 =	stileid.u32;
	s4 =	simm.s32 $0x0  }
0x5: {  	s16 =	simm.s32 $0x80;
	s17 =	simm.s32 $0x600;
	s18 =	simm.s32 $0x280  }
0x6: {  	s19 =	simm.s32 $0x680;
	s20 =	simm.s32 $0x300;
	s21 =	simm.s32 $0x700  }
0x7: {  	s22 =	simm.s32 $0x380;
	s23 =	simm.s32 $0x780;
	s28 =	simm.s32 $0x580  }
0x8: {  	s29 =	simm.s32 $0x40;
	s30 =	simm.s32 $0x10;
	s7 =	sand.u32 $0x1, s1  }
0x9: {  	s1 =	rddreg [dreg:$0x4];
	s8 =	sshrl.u32 s2, $0x3;
	s10 =	sand.u32 $0x7, s2  }
0xa: {  	[smem:$0x7FF] =	sst s4;
	s13 =	sadd.s32 $0x2200, s5;
	s9 =	sshll.u32 s7, $0x1  }
0xb: {  	s12 =	sshll.u32 s10, $0x6;
	s10 =	sshll.u32 s10, $0xD;
	_ =	strace $0x80000047  }
0xc: {  	s7 =	ssub.s32 $0x2, s7;
	[dreg:$0x5] =	wrdreg s13;
	s26 =	sshll.u32 s8, $0xE  }
0xd: {  	s13 =	simm.s32 $0x400;
	s9 =	sor.u32 s8, s9;
	s25 =	sshrl.u32 s7, $0x1  }
0xe: {  	s8 =	sadd.s32 s26, s3;
	s31 =	sshrl.u32 s10, $0x2;
	s26 =	simm.s32 $0x500  }
0xf: {  	s11 =	sshll.u32 s9, $0x9;
	s9 =	sshll.u32 s9, $0x7;
	s14 =	ssub.s32 s7, s25  }
0x10: {  	s15 =	sadd.s32 s31, s8;
	s8 =	sshll.u32 s2, $0x6;
	s11 =	sor.u32 s12, s11  }
0x11: {  	s25 =	simm.s32 $0x480;
	s9 =	sor.u32 s10, s9;
	s12 =	sadd.s32 s11, s5  }
0x12: {  	s9 =	sshrl.u32 s9, $0x3;
	s6 =	sadd.s32 s6, s11;
	s11 =	smax.u32 s14, $0x1  }
0x13: {  	s14 =	sshrl.u32 s15, $0x3;
	s15 =	simm.s32 $0x1;
	s24 =	sadd.s32 s9, s5  }
0x14: {  	s5 =	sadd.s32 $0x1A00, s12;
	s7 =	sadd.s32 $0x1200, s12;
	s9 =	sor.u32 $0x1C01, s8  }
0x15: {  	s12 =	simm.s32 $0x200;
	s10 =	sadd.s32 $0x2400, s24;
	s24 =	simm.s32 $0x2  }
.LBB2_1:
0x16: {  	[tilespmem:s12], [sflag:$0x1] =	stream.linear.gather [hbm4b:s5+s4], $0x200, $0x38;
	[tilespmem:$0x1000] =	vst v63  }
0x17: {  	_ = 	snop  }
0x18: {  	[tilespmem:s4], [sflag:$0x1] =	stream.linear.gather [hbm4b:s6+s4], $0x200, $0x38;
	[tilespmem:$0x1000] =	vst v63  }
0x19: {  	s31 =	rddreg [dreg:$0x5]  }
0x1a: {  	[tilespmem:s13], [sflag:$0x1] =	stream.linear.gather [hbm4b:s7+s4], $0x200, $0x38;
	[tilespmem:$0x1000] =	vst v63  }
0x1b: {  	[spmem:s14], [sflag:s9] =	dma.local [hbm:s31], $0x100  }
0x1c: {  	_ =	swait.ge [sflag:s15], $0x200  }
0x1d: {  	[sflag:s15] =	ssyncset.done $0x0  }
0x1e: {  	[sflag:s15] =	ssyncadd.s32 $0xFFFFFE00  }
0x1f: {  	_ =	swait.ge [sflag:s15], $0x200  }
0x20: {  	[sflag:s15] =	ssyncset.done $0x0  }
0x21: {  	[sflag:s15] =	ssyncadd.s32 $0xFFFFFE00  }
0x22: {  	_ =	swait.ge [sflag:s15], $0x200  }
0x23: {  	[sflag:s15] =	ssyncset.done $0x0  }
0x24: {  	[sflag:s15] =	ssyncadd.s32 $0xFFFFFE00  }
0x25: {  	_ =	swait.ge [sflag:s15], $0x100  }
0x26: {  	[sflag:s15] =	ssyncset.done $0x0  }
0x27: {  	[sflag:s15] =	ssyncadd.s32 $0xFFFFFF00  }
0x28: {  	[tilespmem:s17], [sflag:$0x1] =	stream.indirect.gather [hbm4b:s0+s16], $0x1, s12, s16, $0xb8;
	[tilespmem:$0x1000] =	vst v63  }
0x29: {  	_ = 	snop  }
0x2a: {  	[tilespmem:s19], [sflag:$0x1] =	stream.indirect.gather [hbm4b:s0+s16], $0x1, s18, s16, $0xb8;
	[tilespmem:$0x1000] =	vst v63  }
0x2b: {  	_ = 	snop  }
0x2c: {  	[tilespmem:s21], [sflag:$0x1] =	stream.indirect.gather [hbm4b:s0+s16], $0x1, s20, s16, $0xb8;
	[tilespmem:$0x1000] =	vst v63  }
0x2d: {  	_ = 	snop  }
0x2e: {  	[tilespmem:s23], [sflag:$0x1] =	stream.indirect.gather [hbm4b:s0+s16], $0x1, s22, s16, $0xb8;
	[tilespmem:$0x1000] =	vst v63  }
0x2f: {  	_ =	swait.ge [sflag:s15], $0x80  }
0x30: {  	[sflag:s15] =	ssyncset.done $0x0  }
0x31: {  	[sflag:s15] =	ssyncadd.s32 $0xFFFFFF80  }
0x32: {  	_ =	swait.ge [sflag:s15], $0x80  }
0x33: {  	[sflag:s15] =	ssyncset.done $0x0  }
0x34: {  	[sflag:s15] =	ssyncadd.s32 $0xFFFFFF80  }
0x35: {  	_ =	swait.ge [sflag:s15], $0x80  }
0x36: {  	[sflag:s15] =	ssyncset.done $0x0  }
0x37: {  	[sflag:s15] =	ssyncadd.s32 $0xFFFFFF80  }
0x38: {  	_ =	swait.ge [sflag:s15], $0x80  }
0x39: {  	[sflag:s15] =	ssyncset.done $0x0  }
0x3a: {  	[sflag:s15] =	ssyncadd.s32 $0xFFFFFF80  }
0x3b: {  	v0 =	vld [tilespmem:$0x600]  }
0x3c: {  	v1 =	vld [tilespmem:$0x0]  }
0x3d: {  	v2 =	vld [tilespmem:$0x610]  }
0x3e: {  	v3 =	vld [tilespmem:$0x10]  }
0x3f: {  	v4 =	vld [tilespmem:$0x620]  }
0x40: {  	v5 =	vld [tilespmem:$0x20]  }
0x41: {  	v6 =	vld [tilespmem:$0x630]  }
0x42: {  	v7 =	vld [tilespmem:$0x30]  }
0x43: {  	v8 =	vld [tilespmem:$0x640]  }
0x44: {  	v9 =	vld [tilespmem:$0x40]  }
0x45: {  	v10 =	vld [tilespmem:$0x650]  }
0x46: {  	v11 =	vld [tilespmem:$0x50]  }
0x47: {  	v12 =	vld [tilespmem:$0x660]  }
0x48: {  	v13 =	vld [tilespmem:$0x60]  }
0x49: {  	v14 =	vld [tilespmem:$0x670]  }
0x4a: {  	v15 =	vld [tilespmem:$0x70]  }
0x4b: {  	v16 =	vld [tilespmem:$0x680]  }
0x4c: {  	v17 =	vld [tilespmem:$0x80]  }
0x4d: {  	v18 =	vld [tilespmem:$0x690]  }
0x4e: {  	v19 =	vld [tilespmem:$0x90]  }
0x4f: {  	v20 =	vld [tilespmem:$0x6A0]  }
0x50: {  	v21 =	vld [tilespmem:$0xA0]  }
0x51: {  	v22 =	vld [tilespmem:$0x6B0]  }
0x52: {  	v23 =	vld [tilespmem:$0xB0]  }
0x53: {  	v24 =	vld [tilespmem:$0x6C0]  }
0x54: {  	v25 =	vld [tilespmem:$0xC0]  }
0x55: {  	v26 =	vld [tilespmem:$0x6D0]  }
0x56: {  	v27 =	vld [tilespmem:$0xD0]  }
0x57: {  	v28 =	vld [tilespmem:$0x6E0]  }
0x58: {  	v29 =	vld [tilespmem:$0xE0]  }
0x59: {  	v30 =	vld [tilespmem:$0x6F0]  }
0x5a: {  	v31 =	vld [tilespmem:$0xF0]  }
0x5b: {  	v32 =	vld [tilespmem:$0x700]  }
0x5c: {  	v33 =	vld [tilespmem:$0x100]  }
0x5d: {  	v34 =	vld [tilespmem:$0x710]  }
0x5e: {  	v35 =	vld [tilespmem:$0x110]  }
0x5f: {  	v36 =	vld [tilespmem:$0x720]  }
0x60: {  	v46 =	vld [tilespmem:$0x120];
	v0 =	vmul.f32 v1, v0  }
0x61: {  	v47 =	vld [tilespmem:$0x730];
	v2 =	vmul.f32 v3, v2  }
0x62: {  	v49 =	vld [tilespmem:$0x130];
	v48 =	vmul.f32 v5, v4;
	[tilespmem:$0x600] =	vst v0  }
0x63: {  	v51 =	vld [tilespmem:$0x740];
	v50 =	vmul.f32 v7, v6;
	[tilespmem:$0x610] =	vst v2  }
0x64: {  	v53 =	vld [tilespmem:$0x140];
	v52 =	vmul.f32 v9, v8;
	[tilespmem:$0x620] =	vst v48  }
0x65: {  	v55 =	vld [tilespmem:$0x750];
	v54 =	vmul.f32 v11, v10;
	[tilespmem:$0x630] =	vst v50  }
0x66: {  	v57 =	vld [tilespmem:$0x150];
	v56 =	vmul.f32 v13, v12;
	[tilespmem:$0x640] =	vst v52  }
0x67: {  	v59 =	vld [tilespmem:$0x760];
	v58 =	vmul.f32 v15, v14;
	[tilespmem:$0x650] =	vst v54  }
0x68: {  	v61 =	vld [tilespmem:$0x160];
	v60 =	vmul.f32 v17, v16;
	[tilespmem:$0x660] =	vst v56  }
0x69: {  	v63 =	vld [tilespmem:$0x770];
	v62 =	vmul.f32 v19, v18;
	[tilespmem:$0x670] =	vst v58  }
0x6a: {  	v37 =	vld [tilespmem:$0x7A0];
	v20 =	vmul.f32 v21, v20;
	[tilespmem:$0x680] =	vst v60  }
0x6b: {  	v39 =	vld [tilespmem:$0x1A0];
	v22 =	vmul.f32 v23, v22;
	[tilespmem:$0x690] =	vst v62  }
0x6c: {  	v41 =	vld [tilespmem:$0x7B0];
	v24 =	vmul.f32 v25, v24;
	[tilespmem:$0x6A0] =	vst v20  }
0x6d: {  	v43 =	vld [tilespmem:$0x1B0];
	v26 =	vmul.f32 v27, v26;
	[tilespmem:$0x6B0] =	vst v22  }
0x6e: {  	v45 =	vld [tilespmem:$0x7C0];
	v28 =	vmul.f32 v29, v28;
	[tilespmem:$0x6C0] =	vst v24  }
0x6f: {  	v21 =	vld [tilespmem:$0x170];
	v31 =	vmul.f32 v31, v30;
	[tilespmem:$0x6D0] =	vst v26  }
0x70: {  	v23 =	vld [tilespmem:$0x780];
	v38 =	vmul.f32 v33, v32;
	[tilespmem:$0x6E0] =	vst v28  }
0x71: {  	v25 =	vld [tilespmem:$0x180];
	v40 =	vmul.f32 v35, v34;
	[tilespmem:$0x6F0] =	vst v31  }
0x72: {  	v27 =	vld [tilespmem:$0x790];
	v42 =	vmul.f32 v46, v36;
	[tilespmem:$0x700] =	vst v38  }
0x73: {  	v29 =	vld [tilespmem:$0x190];
	v44 =	vmul.f32 v49, v47;
	[tilespmem:$0x710] =	vst v40  }
0x74: {  	v46 =	vmul.f32 v53, v51;
	v47 =	vld [tilespmem:$0x1C0];
	[tilespmem:$0x720] =	vst v42  }
0x75: {  	v49 =	vld [tilespmem:$0x7D0];
	v1 =	vmul.f32 v43, v41;
	[tilespmem:$0x730] =	vst v44  }
0x76: {  	v51 =	vld [tilespmem:$0x1D0];
	v48 =	vmul.f32 v57, v55;
	[tilespmem:$0x740] =	vst v46  }
0x77: {  	v53 =	vld [tilespmem:$0x7E0];
	v50 =	vmul.f32 v61, v59;
	[tilespmem:$0x7B0] =	vst v1  }
0x78: {  	v55 =	vld [tilespmem:$0x1E0];
	v58 =	vmul.f32 v39, v37;
	[tilespmem:$0x750] =	vst v48  }
0x79: {  	v57 =	vld [tilespmem:$0x7F0];
	[tilespmem:$0x760] =	vst v50;
	v52 =	vmul.f32 v21, v63  }
0x7a: {  	v59 =	vld [tilespmem:$0x1F0];
	[tilespmem:$0x7A0] =	vst v58;
	v54 =	vmul.f32 v25, v23  }
0x7b: {  	v56 =	vmul.f32 v29, v27;
	[tilespmem:$0x770] =	vst v52  }
0x7c: {  	v60 =	vmul.f32 v47, v45;
	[tilespmem:$0x780] =	vst v54  }
0x7d: {  	v61 =	vmul.f32 v51, v49;
	[tilespmem:$0x790] =	vst v56  }
0x7e: {  	[tilespmem:$0x7C0] =	vst v60;
	v62 =	vmul.f32 v55, v53  }
0x7f: {  	[tilespmem:$0x7D0] =	vst v61;
	v63 =	vmul.f32 v59, v57  }
0x80: {  	[tilespmem:$0x7E0] =	vst v62  }
0x81: {  	[tilespmem:$0x7F0] =	vst v63  }
0x82: {  	[bflag:$0x0] =	sbarrier.arrive $0xFFFF  }
0x83: {  	[spmem:s3] =	stream.indirect.scatter.add.f32 [tilespmem:s17], [sflag:$0x2], $0x1, s13, s16, $0xb8;
	[tilespmem:$0x1000] =	vst v63  }
0x84: {  	_ =	swait.ge [sflag:s24], $0x80  }
0x85: {  	[sflag:s24] =	ssyncset.done $0x0  }
0x86: {  	[sflag:s24] =	ssyncadd.s32 $0xFFFFFF80  }
0x87: {  	[spmem:s3] =	stream.indirect.scatter.add.f32 [tilespmem:s19], [sflag:$0x2], $0x1, s25, s16, $0xb8;
	[tilespmem:$0x1000] =	vst v63  }
0x88: {  	_ =	swait.ge [sflag:s24], $0x80  }
0x89: {  	[sflag:s24] =	ssyncset.done $0x0  }
0x8a: {  	[sflag:s24] =	ssyncadd.s32 $0xFFFFFF80  }
0x8b: {  	[spmem:s3] =	stream.indirect.scatter.add.f32 [tilespmem:s21], [sflag:$0x2], $0x1, s26, s16, $0xb8;
	[tilespmem:$0x1000] =	vst v63  }
0x8c: {  	_ =	swait.ge [sflag:s24], $0x80  }
0x8d: {  	[sflag:s24] =	ssyncset.done $0x0  }
0x8e: {  	[sflag:s24] =	ssyncadd.s32 $0xFFFFFF80  }
0x8f: {  	[spmem:s3] =	stream.indirect.scatter.add.f32 [tilespmem:s23], [sflag:$0x2], $0x1, s28, s16, $0xb8;
	[tilespmem:$0x1000] =	vst v63  }
0x90: {  	_ =	swait.ge [sflag:s24], $0x80  }
0x91: {  	[sflag:s24] =	ssyncset.done $0x0  }
0x92: {  	p0 =	sne.s32 s11, $0x1;
	[sflag:s24] =	ssyncadd.s32 $0xFFFFFF80  }
.Ltmp0:
0x93: {  	s31 =	sor.u32 $0x1C02, s8;
	[bflag:$0x0] =	sbarrier.arrive $0xFFFF;
	(pc) =	sbr.rel @p0 .LBB2_1-.Ltmp0, $4  }
0x94: {  	[hbm:s10@s29], [sflag:s31] =	dma.strided [spmem:s14@s30], $0x100, s15, $0x10   }
0x95: {  	_ =	swait.ge [sflag:s24], $0x100  }
0x96: {  	[sflag:s24] =	ssyncset.done $0x0  }
0x97: {  	s11 =	sadd.s32 $0xFFFFFFFF, s11;
	[sflag:s24] =	ssyncadd.s32 $0xFFFFFF00  }
0x98: {  	_ =	sfence.sel $0x180000  }
0x99: {  	[bflag:$0x0] =	sbarrier.arrive $0xFFFF  }
0x9a: {  	p0 =	sne.s32 s2, $0x0;
	_ =	strace $0x90000047  }
0x9b: {  	s0 =	sadd.s32 @!p0 $0x100000, s1;
	[bflag:$0x2] =	sbarrier.arrive $0xFFFF  }
0x9c: {  	[sflag:s0] =	ssyncadd.tile.s32 @!p0 $0x1;
	_ =	shalt  }
.Lfunc_end2:
_tile_overlayer_lowered:
.L_overlay_start_2:
0x9d: {  	(tag) =	ssettag $0x2  }
0x9e: {  	s0 =	rddreg [dreg:$0x0];
	s2 =	stileid.u32  }
0x9f: {  	s1 =	rddreg [dreg:$0x1];
	p0 =	sne.s32 s2, $0x0  }
0xa0: {  	s3 =	rddreg [dreg:$0x2];
	[bflag:$0x3] =	sbarrier.arrive $0xFFFF;
	s2 =	simm.s32 @!p0 $0x1C02  }
0xa1: {  	[timem:s3], [sflag:s2] =	dma.local @!p0 [hbm:s0], s1  }
0xa2: {  	s0 =	simm.s32 @!p0 $0x2  }
0xa3: {  	_ =	swait.ge @!p0 [sflag:s0], s1  }
0xa4: {  	s1 =	ssub.s32 @!p0 $0x0, s1;
	[sflag:s0] =	ssyncset.done @!p0 $0x0  }
0xa5: {  	[sflag:s0] =	ssyncadd.s32 @!p0 s1  }
0xa6: {  	[bflag:$0x3] =	sbarrier.arrive $0xFFFF  }
0xa7: {  	_ =	shalt  }

</sc_bundles>
